<compile_context>
chip_gen: v7x
topology: tpu7x:2x2x1
jax: 0.10.2.dev20260603
libtpu: 0.0.44.dev20260713+nightly
codegen_flags: <defaults>
</compile_context>

<pallas_src>
import functools

import jax
import jax.numpy as jnp
from jax import lax
from jax.experimental import pallas as pl
from jax.experimental.pallas import tpu as pltpu
from jax.experimental.pallas import tpu_sc as plsc

N = 10000
E = 320000
D = 128
NSUB = 16
EPC = E // 2
EPT = EPC // NSUB
CHUNK = 80
NCHUNK = -(-EPT // CHUNK)
EPTP = NCHUNK * CHUNK
NPAD = 8
WB_A = 624
WB_B = N - 15 * WB_A

_MM_BLK = 2000


def _mm1(x, w):

    def body(x_ref, w_ref, o_ref):
        o_ref[...] = lax.dot_general(
            x_ref[...], w_ref[...], (((1,), (0,)), ((), ())),
            preferred_element_type=jnp.float32)

    return pl.pallas_call(
        body,
        grid=(N // _MM_BLK,),
        in_specs=[
            pl.BlockSpec((_MM_BLK, D), lambda i: (i, 0)),
            pl.BlockSpec((D, D), lambda i: (0, 0)),
        ],
        out_specs=pl.BlockSpec((_MM_BLK, D), lambda i: (i, 0)),
        out_shape=jax.ShapeDtypeStruct((N, D), jnp.float32),
    )(x, w)


def _mm2(pp, w):

    def body(a_ref, b_ref, w_ref, o_ref):
        h = jnp.maximum(a_ref[0] + b_ref[0], 0.0)
        o_ref[...] = lax.dot_general(
            h, w_ref[...], (((1,), (0,)), ((), ())),
            preferred_element_type=jnp.float32)

    return pl.pallas_call(
        body,
        grid=(N // _MM_BLK,),
        in_specs=[
            pl.BlockSpec((1, _MM_BLK, D), lambda i: (0, i, 0)),
            pl.BlockSpec((1, _MM_BLK, D), lambda i: (1, i, 0)),
            pl.BlockSpec((D, D), lambda i: (0, 0)),
        ],
        out_specs=pl.BlockSpec((_MM_BLK, D), lambda i: (i, 0)),
        out_shape=jax.ShapeDtypeStruct((N, D), jnp.float32),
    )(pp, pp, w)


def _combine(pp):

    def body(a_ref, b_ref, o_ref):
        o_ref[...] = a_ref[0] + b_ref[0]

    return pl.pallas_call(
        body,
        grid=(N // _MM_BLK,),
        in_specs=[
            pl.BlockSpec((1, _MM_BLK, D), lambda i: (0, i, 0)),
            pl.BlockSpec((1, _MM_BLK, D), lambda i: (1, i, 0)),
        ],
        out_specs=pl.BlockSpec((_MM_BLK, D), lambda i: (i, 0)),
        out_shape=jax.ShapeDtypeStruct((N, D), jnp.float32),
    )(pp, pp)


NBUF = 4
ISLOT = NBUF + 1


def _agg(table, ei1, zrs):
    mesh = plsc.VectorSubcoreMesh(core_axis_name="c", subcore_axis_name="s")

    @functools.partial(
        pl.kernel,
        mesh=mesh,
        out_type=jax.ShapeDtypeStruct((2, N, D), jnp.float32),
        scratch_types=[
            pltpu.VMEM((ISLOT, CHUNK), jnp.int32),
            pltpu.VMEM((ISLOT, CHUNK), jnp.int32),
            pltpu.VMEM((NBUF, CHUNK, D), jnp.float32),
            pltpu.VMEM_SHARED((N + NPAD, D), jnp.float32),
            pltpu.SemaphoreType.DMA((ISLOT,)),
            pltpu.SemaphoreType.DMA((ISLOT,)),
            pltpu.SemaphoreType.DMA((NBUF,)),
        ],
    )
    def agg(ei_ref, table_ref, zrs_ref, out_ref,
            idxr, idxc, bufs, acc, rsem, csem, gsem):
        cid = lax.axis_index("c")
        sid = lax.axis_index("s")
        wid = cid * NSUB + sid
        ebase = wid * EPT

        def idx_load(j, s):
            eb = ebase + j * CHUNK
            pltpu.async_copy(
                ei_ref.at[pl.ds(eb, CHUNK)], idxr.at[s], rsem.at[s])
            pltpu.async_copy(
                ei_ref.at[pl.ds(E + eb, CHUNK)], idxc.at[s], csem.at[s])

        def idx_wait(j, s):
            eb = ebase + j * CHUNK
            pltpu.make_async_copy(
                ei_ref.at[pl.ds(eb, CHUNK)], idxr.at[s], rsem.at[s]).wait()
            pltpu.make_async_copy(
                ei_ref.at[pl.ds(E + eb, CHUNK)], idxc.at[s], csem.at[s]).wait()

        def gather(s, b):
            pltpu.async_copy(table_ref.at[idxc.at[s]], bufs.at[b], gsem.at[b])

        def gather_wait(s, b):
            pltpu.make_async_copy(
                table_ref.at[idxc.at[s]], bufs.at[b], gsem.at[b]).wait()

        for j in range(NBUF):
            idx_load(j, j)
        for j in range(NBUF):
            idx_wait(j, j)
            gather(j, j)

        wbase = sid * WB_A

        @pl.when(sid < NSUB - 1)
        def _():
            pltpu.sync_copy(zrs_ref.at[pl.ds(0, WB_A)],
                            acc.at[pl.ds(wbase, WB_A)])

        @pl.when(sid == NSUB - 1)
        def _():
            pltpu.sync_copy(zrs_ref, acc.at[pl.ds(15 * WB_A, WB_B)])

        plsc.subcore_barrier()

        def body(i, carry):
            b = lax.rem(i, NBUF)
            s = lax.rem(i, ISLOT)
            j = i + NBUF
            sj = lax.rem(j, ISLOT)
            refill = j < NCHUNK

            @pl.when(refill)
            def _():
                idx_load(j, sj)

            gather_wait(s, b)
            pltpu.sync_copy(bufs.at[b], acc.at[idxr.at[s]], add=True)

            @pl.when(refill)
            def _():
                idx_wait(j, sj)
                gather(sj, b)

            return carry

        lax.fori_loop(0, NCHUNK, body, 0)
        plsc.subcore_barrier()

        @pl.when(sid < NSUB - 1)
        def _():
            pltpu.sync_copy(acc.at[pl.ds(wbase, WB_A)],
                            out_ref.at[cid, pl.ds(wbase, WB_A)])

        @pl.when(sid == NSUB - 1)
        def _():
            pltpu.sync_copy(acc.at[pl.ds(15 * WB_A, WB_B)],
                            out_ref.at[cid, pl.ds(15 * WB_A, WB_B)])

    return agg(ei1, table, zrs)


def kernel(features, edge_index, W1, W2):
    ei1 = edge_index.astype(jnp.int32).reshape(2 * E)
    zrs = jnp.zeros((WB_B, D), jnp.float32)
    t1 = _mm1(features, W1)
    pp1 = _agg(t1, ei1, zrs)
    t2 = _mm2(pp1, W2)
    pp2 = _agg(t2, ei1, zrs)
    return _combine(pp2)

# --- scband reference (transcript-rebuilt; emitter-appended) ---
"""Pipeline reference for scband-nng-56942676411057 (READ-ONLY COPY).

The authoritative reference and input builder live on the scoring server;
editing this copy changes nothing except your own understanding.
"""

import jax, jax.numpy as jnp
import numpy as np

N_NODES = 10000
N_EDGES = 320000
D_IN = 128
D_HID = 128
D_OUT = 128


def _xavier_uniform(key, shape):
    fan_in, fan_out = shape[0], shape[1]
    limit = float(np.sqrt(6.0 / (fan_in + fan_out)))
    return jax.random.uniform(key, shape, dtype=jnp.float32, minval=-limit, maxval=limit)


def setup_inputs(seed: int = 0) -> dict:
    key = jax.random.key(seed)
    k1, k2, k3, k4 = jax.random.split(key, 4)
    features = jax.random.normal(k1, (N_NODES, D_IN), dtype=jnp.float32)
    edge_index = jax.random.randint(k2, (2, N_EDGES), 0, N_NODES, dtype=jnp.int64)
    W1 = _xavier_uniform(k3, (D_IN, D_HID))
    W2 = _xavier_uniform(k4, (D_HID, D_OUT))
    return {"features": features, "edge_index": edge_index, "W1": W1, "W2": W2}


def _graph_conv(features, edge_index, W, n_nodes):
    # support = features @ W ; output = A_sparse @ support with all-ones values
    # A.nonzero() -> (row, col); sparse mm: out[row] += support[col]
    row = edge_index[0]
    col = edge_index[1]
    support = features @ W
    msgs = jnp.take(support, col, axis=0)
    out = jax.ops.segment_sum(msgs, row, num_segments=n_nodes)
    return out


def reference(features, edge_index, W1, W2):
    n_nodes = features.shape[0]
    x = _graph_conv(features, edge_index, W1, n_nodes)
    x = jax.nn.relu(x)
    x = _graph_conv(x, edge_index, W2, n_nodes)
    return x

if __name__ == "__main__":
    import jax
    _d = setup_inputs()
    print(jax.jit(kernel)(*tuple(_d.values())))

</pallas_src>

<mosaic_0001>
#map = affine_map<(d0, d1) -> (0)>
#map1 = affine_map<(d0, d1) -> (0, 0)>
#map2 = affine_map<(d0, d1) -> (0, 0, 0)>
module attributes {stable_mosaic.version = 14 : i64} {
  func.func @agg(%arg0: i32, %arg1: i32, %arg2: memref<640000xi32, #tpu.memory_space<hbm>>, %arg3: memref<10000x128xf32, #tpu.memory_space<hbm>>, %arg4: memref<640x128xf32, #tpu.memory_space<hbm>>, %arg5: memref<2x10000x128xf32, #tpu.memory_space<hbm>>, %arg6: memref<5x80xi32, #tpu.memory_space<vmem>>, %arg7: memref<5x80xi32, #tpu.memory_space<vmem>>, %arg8: memref<4x80x128xf32, #tpu.memory_space<vmem>>, %arg9: memref<10008x128xf32, #tpu.memory_space<vmem_shared>>, %arg10: memref<5x!tpu.dma_semaphore, #tpu.memory_space<semaphore_mem>>, %arg11: memref<5x!tpu.dma_semaphore, #tpu.memory_space<semaphore_mem>>, %arg12: memref<4x!tpu.dma_semaphore, #tpu.memory_space<semaphore_mem>>) attributes {dimension_semantics = [#tpu.dimension_semantics<core_parallel>, #tpu.dimension_semantics<subcore_parallel>], iteration_bounds = array<i64: 2, 16>, scalar_prefetch = 0 : i64, scratch_operands = 7 : i64, tpu.core_type = #tpu.core_type<sc_vector_subcore>, window_params = [{transform_indices = #map}, {transform_indices = #map1}, {transform_indices = #map1}, {transform_indices = #map2}]} {
    %mul3A = arith.constant 16 : i32
    %mul3A_0 = arith.muli %arg0, %mul3A : i32
    %add3A = arith.addi %mul3A_0, %arg1 : i32
    %mul3A_1 = arith.constant 10000 : i32
    %mul3A_2 = arith.muli %add3A, %mul3A_1 : i32
    %add3A_3 = arith.constant 0 : i32
    %add3A_4 = arith.addi %mul3A_2, %add3A_3 : i32
    %dma_start3A = arith.constant 0 : i32
    %dma_start3A_5 = arith.constant 0 : i32
    %dma_start3A_6 = arith.constant 0 : i32
    %dma_start3A_7 = tpu.memref_slice %arg6[%dma_start3A, %dma_start3A_6] : memref<5x80xi32, #tpu.memory_space<vmem>> -> memref<1x80xi32, #tpu.memory_space<vmem>>
    %dma_start3A_8 = tpu.memref_squeeze %dma_start3A_7 : memref<1x80xi32, #tpu.memory_space<vmem>> -> memref<80xi32, #tpu.memory_space<vmem>>
    %dma_start3A_9 = tpu.memref_slice %arg2[%add3A_4] : memref<640000xi32, #tpu.memory_space<hbm>> -> memref<80xi32, #tpu.memory_space<hbm>>
    %dma_start3A_10 = tpu.memref_slice %arg10[%dma_start3A_5] : memref<5x!tpu.dma_semaphore, #tpu.memory_space<semaphore_mem>> -> memref<1x!tpu.dma_semaphore, #tpu.memory_space<semaphore_mem>>
    %dma_start3A_11 = tpu.memref_squeeze %dma_start3A_10 : memref<1x!tpu.dma_semaphore, #tpu.memory_space<semaphore_mem>> -> memref<!tpu.dma_semaphore, #tpu.memory_space<semaphore_mem>>
    %dma_start3A_12 = arith.constant 0 : i32
    %dma_start3A_13 = tpu.memref_slice %arg6[%dma_start3A, %dma_start3A_12] : memref<5x80xi32, #tpu.memory_space<vmem>> -> memref<1x80xi32, #tpu.memory_space<vmem>>
    %dma_start3A_14 = tpu.memref_squeeze %dma_start3A_13 : memref<1x80xi32, #tpu.memory_space<vmem>> -> memref<80xi32, #tpu.memory_space<vmem>>
    %dma_start3A_15 = tpu.memref_slice %arg2[%add3A_4] : memref<640000xi32, #tpu.memory_space<hbm>> -> memref<80xi32, #tpu.memory_space<hbm>>
    tpu.enqueue_dma source(%dma_start3A_15 : memref<80xi32, #tpu.memory_space<hbm>>) target(%dma_start3A_14 : memref<80xi32, #tpu.memory_space<vmem>>) target_semaphore(%dma_start3A_11 : memref<!tpu.dma_semaphore, #tpu.memory_space<semaphore_mem>>)
    %add3A_16 = arith.constant 320000 : i32
    %add3A_17 = arith.addi %add3A_16, %add3A_4 : i32
    %dma_start3A_18 = arith.constant 0 : i32
    %dma_start3A_19 = arith.constant 0 : i32
    %dma_start3A_20 = arith.constant 0 : i32
    %dma_start3A_21 = tpu.memref_slice %arg7[%dma_start3A_18, %dma_start3A_20] : memref<5x80xi32, #tpu.memory_space<vmem>> -> memref<1x80xi32, #tpu.memory_space<vmem>>
    %dma_start3A_22 = tpu.memref_squeeze %dma_start3A_21 : memref<1x80xi32, #tpu.memory_space<vmem>> -> memref<80xi32, #tpu.memory_space<vmem>>
    %dma_start3A_23 = tpu.memref_slice %arg2[%add3A_17] : memref<640000xi32, #tpu.memory_space<hbm>> -> memref<80xi32, #tpu.memory_space<hbm>>
    %dma_start3A_24 = tpu.memref_slice %arg11[%dma_start3A_19] : memref<5x!tpu.dma_semaphore, #tpu.memory_space<semaphore_mem>> -> memref<1x!tpu.dma_semaphore, #tpu.memory_space<semaphore_mem>>
    %dma_start3A_25 = tpu.memref_squeeze %dma_start3A_24 : memref<1x!tpu.dma_semaphore, #tpu.memory_space<semaphore_mem>> -> memref<!tpu.dma_semaphore, #tpu.memory_space<semaphore_mem>>
    %dma_start3A_26 = arith.constant 0 : i32
    %dma_start3A_27 = tpu.memref_slice %arg7[%dma_start3A_18, %dma_start3A_26] : memref<5x80xi32, #tpu.memory_space<vmem>> -> memref<1x80xi32, #tpu.memory_space<vmem>>
    %dma_start3A_28 = tpu.memref_squeeze %dma_start3A_27 : memref<1x80xi32, #tpu.memory_space<vmem>> -> memref<80xi32, #tpu.memory_space<vmem>>
    %dma_start3A_29 = tpu.memref_slice %arg2[%add3A_17] : memref<640000xi32, #tpu.memory_space<hbm>> -> memref<80xi32, #tpu.memory_space<hbm>>
    tpu.enqueue_dma source(%dma_start3A_29 : memref<80xi32, #tpu.memory_space<hbm>>) target(%dma_start3A_28 : memref<80xi32, #tpu.memory_space<vmem>>) target_semaphore(%dma_start3A_25 : memref<!tpu.dma_semaphore, #tpu.memory_space<semaphore_mem>>)
    %add3A_30 = arith.constant 80 : i32
    %add3A_31 = arith.addi %mul3A_2, %add3A_30 : i32
    %dma_start3A_32 = arith.constant 1 : i32
    %dma_start3A_33 = arith.constant 1 : i32
    %dma_start3A_34 = arith.constant 0 : i32
    %dma_start3A_35 = tpu.memref_slice %arg6[%dma_start3A_32, %dma_start3A_34] : memref<5x80xi32, #tpu.memory_space<vmem>> -> memref<1x80xi32, #tpu.memory_space<vmem>>
    %dma_start3A_36 = tpu.memref_squeeze %dma_start3A_35 : memref<1x80xi32, #tpu.memory_space<vmem>> -> memref<80xi32, #tpu.memory_space<vmem>>
    %dma_start3A_37 = tpu.memref_slice %arg2[%add3A_31] : memref<640000xi32, #tpu.memory_space<hbm>> -> memref<80xi32, #tpu.memory_space<hbm>>
    %dma_start3A_38 = tpu.memref_slice %arg10[%dma_start3A_33] : memref<5x!tpu.dma_semaphore, #tpu.memory_space<semaphore_mem>> -> memref<1x!tpu.dma_semaphore, #tpu.memory_space<semaphore_mem>>
    %dma_start3A_39 = tpu.memref_squeeze %dma_start3A_38 : memref<1x!tpu.dma_semaphore, #tpu.memory_space<semaphore_mem>> -> memref<!tpu.dma_semaphore, #tpu.memory_space<semaphore_mem>>
    %dma_start3A_40 = arith.constant 0 : i32
    %dma_start3A_41 = tpu.memref_slice %arg6[%dma_start3A_32, %dma_start3A_40] : memref<5x80xi32, #tpu.memory_space<vmem>> -> memref<1x80xi32, #tpu.memory_space<vmem>>
    %dma_start3A_42 = tpu.memref_squeeze %dma_start3A_41 : memref<1x80xi32, #tpu.memory_space<vmem>> -> memref<80xi32, #tpu.memory_space<vmem>>
    %dma_start3A_43 = tpu.memref_slice %arg2[%add3A_31] : memref<640000xi32, #tpu.memory_space<hbm>> -> memref<80xi32, #tpu.memory_space<hbm>>
    tpu.enqueue_dma source(%dma_start3A_43 : memref<80xi32, #tpu.memory_space<hbm>>) target(%dma_start3A_42 : memref<80xi32, #tpu.memory_space<vmem>>) target_semaphore(%dma_start3A_39 : memref<!tpu.dma_semaphore, #tpu.memory_space<semaphore_mem>>)
    %add3A_44 = arith.constant 320000 : i32
    %add3A_45 = arith.addi %add3A_44, %add3A_31 : i32
    %dma_start3A_46 = arith.constant 1 : i32
    %dma_start3A_47 = arith.constant 1 : i32
    %dma_start3A_48 = arith.constant 0 : i32
    %dma_start3A_49 = tpu.memref_slice %arg7[%dma_start3A_46, %dma_start3A_48] : memref<5x80xi32, #tpu.memory_space<vmem>> -> memref<1x80xi32, #tpu.memory_space<vmem>>
    %dma_start3A_50 = tpu.memref_squeeze %dma_start3A_49 : memref<1x80xi32, #tpu.memory_space<vmem>> -> memref<80xi32, #tpu.memory_space<vmem>>
    %dma_start3A_51 = tpu.memref_slice %arg2[%add3A_45] : memref<640000xi32, #tpu.memory_space<hbm>> -> memref<80xi32, #tpu.memory_space<hbm>>
    %dma_start3A_52 = tpu.memref_slice %arg11[%dma_start3A_47] : memref<5x!tpu.dma_semaphore, #tpu.memory_space<semaphore_mem>> -> memref<1x!tpu.dma_semaphore, #tpu.memory_space<semaphore_mem>>
    %dma_start3A_53 = tpu.memref_squeeze %dma_start3A_52 : memref<1x!tpu.dma_semaphore, #tpu.memory_space<semaphore_mem>> -> memref<!tpu.dma_semaphore, #tpu.memory_space<semaphore_mem>>
    %dma_start3A_54 = arith.constant 0 : i32
    %dma_start3A_55 = tpu.memref_slice %arg7[%dma_start3A_46, %dma_start3A_54] : memref<5x80xi32, #tpu.memory_space<vmem>> -> memref<1x80xi32, #tpu.memory_space<vmem>>
    %dma_start3A_56 = tpu.memref_squeeze %dma_start3A_55 : memref<1x80xi32, #tpu.memory_space<vmem>> -> memref<80xi32, #tpu.memory_space<vmem>>
    %dma_start3A_57 = tpu.memref_slice %arg2[%add3A_45] : memref<640000xi32, #tpu.memory_space<hbm>> -> memref<80xi32, #tpu.memory_space<hbm>>
    tpu.enqueue_dma source(%dma_start3A_57 : memref<80xi32, #tpu.memory_space<hbm>>) target(%dma_start3A_56 : memref<80xi32, #tpu.memory_space<vmem>>) target_semaphore(%dma_start3A_53 : memref<!tpu.dma_semaphore, #tpu.memory_space<semaphore_mem>>)
    %add3A_58 = arith.constant 160 : i32
    %add3A_59 = arith.addi %mul3A_2, %add3A_58 : i32
    %dma_start3A_60 = arith.constant 2 : i32
    %dma_start3A_61 = arith.constant 2 : i32
    %dma_start3A_62 = arith.constant 0 : i32
    %dma_start3A_63 = tpu.memref_slice %arg6[%dma_start3A_60, %dma_start3A_62] : memref<5x80xi32, #tpu.memory_space<vmem>> -> memref<1x80xi32, #tpu.memory_space<vmem>>
    %dma_start3A_64 = tpu.memref_squeeze %dma_start3A_63 : memref<1x80xi32, #tpu.memory_space<vmem>> -> memref<80xi32, #tpu.memory_space<vmem>>
    %dma_start3A_65 = tpu.memref_slice %arg2[%add3A_59] : memref<640000xi32, #tpu.memory_space<hbm>> -> memref<80xi32, #tpu.memory_space<hbm>>
    %dma_start3A_66 = tpu.memref_slice %arg10[%dma_start3A_61] : memref<5x!tpu.dma_semaphore, #tpu.memory_space<semaphore_mem>> -> memref<1x!tpu.dma_semaphore, #tpu.memory_space<semaphore_mem>>
    %dma_start3A_67 = tpu.memref_squeeze %dma_start3A_66 : memref<1x!tpu.dma_semaphore, #tpu.memory_space<semaphore_mem>> -> memref<!tpu.dma_semaphore, #tpu.memory_space<semaphore_mem>>
    %dma_start3A_68 = arith.constant 0 : i32
    %dma_start3A_69 = tpu.memref_slice %arg6[%dma_start3A_60, %dma_start3A_68] : memref<5x80xi32, #tpu.memory_space<vmem>> -> memref<1x80xi32, #tpu.memory_space<vmem>>
    %dma_start3A_70 = tpu.memref_squeeze %dma_start3A_69 : memref<1x80xi32, #tpu.memory_space<vmem>> -> memref<80xi32, #tpu.memory_space<vmem>>
    %dma_start3A_71 = tpu.memref_slice %arg2[%add3A_59] : memref<640000xi32, #tpu.memory_space<hbm>> -> memref<80xi32, #tpu.memory_space<hbm>>
    tpu.enqueue_dma source(%dma_start3A_71 : memref<80xi32, #tpu.memory_space<hbm>>) target(%dma_start3A_70 : memref<80xi32, #tpu.memory_space<vmem>>) target_semaphore(%dma_start3A_67 : memref<!tpu.dma_semaphore, #tpu.memory_space<semaphore_mem>>)
    %add3A_72 = arith.constant 320000 : i32
    %add3A_73 = arith.addi %add3A_72, %add3A_59 : i32
    %dma_start3A_74 = arith.constant 2 : i32
    %dma_start3A_75 = arith.constant 2 : i32
    %dma_start3A_76 = arith.constant 0 : i32
    %dma_start3A_77 = tpu.memref_slice %arg7[%dma_start3A_74, %dma_start3A_76] : memref<5x80xi32, #tpu.memory_space<vmem>> -> memref<1x80xi32, #tpu.memory_space<vmem>>
    %dma_start3A_78 = tpu.memref_squeeze %dma_start3A_77 : memref<1x80xi32, #tpu.memory_space<vmem>> -> memref<80xi32, #tpu.memory_space<vmem>>
    %dma_start3A_79 = tpu.memref_slice %arg2[%add3A_73] : memref<640000xi32, #tpu.memory_space<hbm>> -> memref<80xi32, #tpu.memory_space<hbm>>
    %dma_start3A_80 = tpu.memref_slice %arg11[%dma_start3A_75] : memref<5x!tpu.dma_semaphore, #tpu.memory_space<semaphore_mem>> -> memref<1x!tpu.dma_semaphore, #tpu.memory_space<semaphore_mem>>
    %dma_start3A_81 = tpu.memref_squeeze %dma_start3A_80 : memref<1x!tpu.dma_semaphore, #tpu.memory_space<semaphore_mem>> -> memref<!tpu.dma_semaphore, #tpu.memory_space<semaphore_mem>>
    %dma_start3A_82 = arith.constant 0 : i32
    %dma_start3A_83 = tpu.memref_slice %arg7[%dma_start3A_74, %dma_start3A_82] : memref<5x80xi32, #tpu.memory_space<vmem>> -> memref<1x80xi32, #tpu.memory_space<vmem>>
    %dma_start3A_84 = tpu.memref_squeeze %dma_start3A_83 : memref<1x80xi32, #tpu.memory_space<vmem>> -> memref<80xi32, #tpu.memory_space<vmem>>
    %dma_start3A_85 = tpu.memref_slice %arg2[%add3A_73] : memref<640000xi32, #tpu.memory_space<hbm>> -> memref<80xi32, #tpu.memory_space<hbm>>
    tpu.enqueue_dma source(%dma_start3A_85 : memref<80xi32, #tpu.memory_space<hbm>>) target(%dma_start3A_84 : memref<80xi32, #tpu.memory_space<vmem>>) target_semaphore(%dma_start3A_81 : memref<!tpu.dma_semaphore, #tpu.memory_space<semaphore_mem>>)
    %add3A_86 = arith.constant 240 : i32
    %add3A_87 = arith.addi %mul3A_2, %add3A_86 : i32
    %dma_start3A_88 = arith.constant 3 : i32
    %dma_start3A_89 = arith.constant 3 : i32
    %dma_start3A_90 = arith.constant 0 : i32
    %dma_start3A_91 = tpu.memref_slice %arg6[%dma_start3A_88, %dma_start3A_90] : memref<5x80xi32, #tpu.memory_space<vmem>> -> memref<1x80xi32, #tpu.memory_space<vmem>>
    %dma_start3A_92 = tpu.memref_squeeze %dma_start3A_91 : memref<1x80xi32, #tpu.memory_space<vmem>> -> memref<80xi32, #tpu.memory_space<vmem>>
    %dma_start3A_93 = tpu.memref_slice %arg2[%add3A_87] : memref<640000xi32, #tpu.memory_space<hbm>> -> memref<80xi32, #tpu.memory_space<hbm>>
    %dma_start3A_94 = tpu.memref_slice %arg10[%dma_start3A_89] : memref<5x!tpu.dma_semaphore, #tpu.memory_space<semaphore_mem>> -> memref<1x!tpu.dma_semaphore, #tpu.memory_space<semaphore_mem>>
    %dma_start3A_95 = tpu.memref_squeeze %dma_start3A_94 : memref<1x!tpu.dma_semaphore, #tpu.memory_space<semaphore_mem>> -> memref<!tpu.dma_semaphore, #tpu.memory_space<semaphore_mem>>
    %dma_start3A_96 = arith.constant 0 : i32
    %dma_start3A_97 = tpu.memref_slice %arg6[%dma_start3A_88, %dma_start3A_96] : memref<5x80xi32, #tpu.memory_space<vmem>> -> memref<1x80xi32, #tpu.memory_space<vmem>>
    %dma_start3A_98 = tpu.memref_squeeze %dma_start3A_97 : memref<1x80xi32, #tpu.memory_space<vmem>> -> memref<80xi32, #tpu.memory_space<vmem>>
    %dma_start3A_99 = tpu.memref_slice %arg2[%add3A_87] : memref<640000xi32, #tpu.memory_space<hbm>> -> memref<80xi32, #tpu.memory_space<hbm>>
    tpu.enqueue_dma source(%dma_start3A_99 : memref<80xi32, #tpu.memory_space<hbm>>) target(%dma_start3A_98 : memref<80xi32, #tpu.memory_space<vmem>>) target_semaphore(%dma_start3A_95 : memref<!tpu.dma_semaphore, #tpu.memory_space<semaphore_mem>>)
    %add3A_100 = arith.constant 320000 : i32
    %add3A_101 = arith.addi %add3A_100, %add3A_87 : i32
    %dma_start3A_102 = arith.constant 3 : i32
    %dma_start3A_103 = arith.constant 3 : i32
    %dma_start3A_104 = arith.constant 0 : i32
    %dma_start3A_105 = tpu.memref_slice %arg7[%dma_start3A_102, %dma_start3A_104] : memref<5x80xi32, #tpu.memory_space<vmem>> -> memref<1x80xi32, #tpu.memory_space<vmem>>
    %dma_start3A_106 = tpu.memref_squeeze %dma_start3A_105 : memref<1x80xi32, #tpu.memory_space<vmem>> -> memref<80xi32, #tpu.memory_space<vmem>>
    %dma_start3A_107 = tpu.memref_slice %arg2[%add3A_101] : memref<640000xi32, #tpu.memory_space<hbm>> -> memref<80xi32, #tpu.memory_space<hbm>>
    %dma_start3A_108 = tpu.memref_slice %arg11[%dma_start3A_103] : memref<5x!tpu.dma_semaphore, #tpu.memory_space<semaphore_mem>> -> memref<1x!tpu.dma_semaphore, #tpu.memory_space<semaphore_mem>>
    %dma_start3A_109 = tpu.memref_squeeze %dma_start3A_108 : memref<1x!tpu.dma_semaphore, #tpu.memory_space<semaphore_mem>> -> memref<!tpu.dma_semaphore, #tpu.memory_space<semaphore_mem>>
    %dma_start3A_110 = arith.constant 0 : i32
    %dma_start3A_111 = tpu.memref_slice %arg7[%dma_start3A_102, %dma_start3A_110] : memref<5x80xi32, #tpu.memory_space<vmem>> -> memref<1x80xi32, #tpu.memory_space<vmem>>
    %dma_start3A_112 = tpu.memref_squeeze %dma_start3A_111 : memref<1x80xi32, #tpu.memory_space<vmem>> -> memref<80xi32, #tpu.memory_space<vmem>>
    %dma_start3A_113 = tpu.memref_slice %arg2[%add3A_101] : memref<640000xi32, #tpu.memory_space<hbm>> -> memref<80xi32, #tpu.memory_space<hbm>>
    tpu.enqueue_dma source(%dma_start3A_113 : memref<80xi32, #tpu.memory_space<hbm>>) target(%dma_start3A_112 : memref<80xi32, #tpu.memory_space<vmem>>) target_semaphore(%dma_start3A_109 : memref<!tpu.dma_semaphore, #tpu.memory_space<semaphore_mem>>)
    %add3A_114 = arith.constant 0 : i32
    %add3A_115 = arith.addi %mul3A_2, %add3A_114 : i32
    %dma_wait3A = arith.constant 0 : i32
    %dma_wait3A_116 = arith.constant 0 : i32
    %dma_wait3A_117 = arith.constant 0 : i32
    %dma_wait3A_118 = tpu.memref_slice %arg6[%dma_wait3A, %dma_wait3A_117] : memref<5x80xi32, #tpu.memory_space<vmem>> -> memref<1x80xi32, #tpu.memory_space<vmem>>
    %dma_wait3A_119 = tpu.memref_squeeze %dma_wait3A_118 : memref<1x80xi32, #tpu.memory_space<vmem>> -> memref<80xi32, #tpu.memory_space<vmem>>
    %dma_wait3A_120 = tpu.memref_slice %arg2[%add3A_115] : memref<640000xi32, #tpu.memory_space<hbm>> -> memref<80xi32, #tpu.memory_space<hbm>>
    %dma_wait3A_121 = tpu.memref_slice %arg10[%dma_wait3A_116] : memref<5x!tpu.dma_semaphore, #tpu.memory_space<semaphore_mem>> -> memref<1x!tpu.dma_semaphore, #tpu.memory_space<semaphore_mem>>
    %dma_wait3A_122 = tpu.memref_squeeze %dma_wait3A_121 : memref<1x!tpu.dma_semaphore, #tpu.memory_space<semaphore_mem>> -> memref<!tpu.dma_semaphore, #tpu.memory_space<semaphore_mem>>
    %dma_wait3A_123 = arith.constant 0 : i32
    %dma_wait3A_124 = tpu.memref_slice %arg6[%dma_wait3A, %dma_wait3A_123] : memref<5x80xi32, #tpu.memory_space<vmem>> -> memref<1x80xi32, #tpu.memory_space<vmem>>
    %dma_wait3A_125 = tpu.memref_squeeze %dma_wait3A_124 : memref<1x80xi32, #tpu.memory_space<vmem>> -> memref<80xi32, #tpu.memory_space<vmem>>
    %dma_wait3A_126 = tpu.memref_slice %arg2[%add3A_115] : memref<640000xi32, #tpu.memory_space<hbm>> -> memref<80xi32, #tpu.memory_space<hbm>>
    tpu.wait_dma2 semaphore(%dma_wait3A_122 : memref<!tpu.dma_semaphore, #tpu.memory_space<semaphore_mem>>) src(%dma_wait3A_126 : memref<80xi32, #tpu.memory_space<hbm>>) dst(%dma_wait3A_125 : memref<80xi32, #tpu.memory_space<vmem>>)
    %add3A_127 = arith.constant 320000 : i32
    %add3A_128 = arith.addi %add3A_127, %add3A_115 : i32
    %dma_wait3A_129 = arith.constant 0 : i32
    %dma_wait3A_130 = arith.constant 0 : i32
    %dma_wait3A_131 = arith.constant 0 : i32
    %dma_wait3A_132 = tpu.memref_slice %arg7[%dma_wait3A_129, %dma_wait3A_131] : memref<5x80xi32, #tpu.memory_space<vmem>> -> memref<1x80xi32, #tpu.memory_space<vmem>>
    %dma_wait3A_133 = tpu.memref_squeeze %dma_wait3A_132 : memref<1x80xi32, #tpu.memory_space<vmem>> -> memref<80xi32, #tpu.memory_space<vmem>>
    %dma_wait3A_134 = tpu.memref_slice %arg2[%add3A_128] : memref<640000xi32, #tpu.memory_space<hbm>> -> memref<80xi32, #tpu.memory_space<hbm>>
    %dma_wait3A_135 = tpu.memref_slice %arg11[%dma_wait3A_130] : memref<5x!tpu.dma_semaphore, #tpu.memory_space<semaphore_mem>> -> memref<1x!tpu.dma_semaphore, #tpu.memory_space<semaphore_mem>>
    %dma_wait3A_136 = tpu.memref_squeeze %dma_wait3A_135 : memref<1x!tpu.dma_semaphore, #tpu.memory_space<semaphore_mem>> -> memref<!tpu.dma_semaphore, #tpu.memory_space<semaphore_mem>>
    %dma_wait3A_137 = arith.constant 0 : i32
    %dma_wait3A_138 = tpu.memref_slice %arg7[%dma_wait3A_129, %dma_wait3A_137] : memref<5x80xi32, #tpu.memory_space<vmem>> -> memref<1x80xi32, #tpu.memory_space<vmem>>
    %dma_wait3A_139 = tpu.memref_squeeze %dma_wait3A_138 : memref<1x80xi32, #tpu.memory_space<vmem>> -> memref<80xi32, #tpu.memory_space<vmem>>
    %dma_wait3A_140 = tpu.memref_slice %arg2[%add3A_128] : memref<640000xi32, #tpu.memory_space<hbm>> -> memref<80xi32, #tpu.memory_space<hbm>>
    tpu.wait_dma2 semaphore(%dma_wait3A_136 : memref<!tpu.dma_semaphore, #tpu.memory_space<semaphore_mem>>) src(%dma_wait3A_140 : memref<80xi32, #tpu.memory_space<hbm>>) dst(%dma_wait3A_139 : memref<80xi32, #tpu.memory_space<vmem>>)
    %dma_start3A_141 = arith.constant 0 : i32
    %dma_start3A_142 = arith.constant 0 : i32
    %dma_start3A_143 = arith.constant 0 : i32
    %dma_start3A_144 = arith.constant 0 : i32
    %dma_start3A_145 = arith.constant 0 : i32
    %dma_start3A_146 = tpu.memref_slice %arg8[%dma_start3A_142, %dma_start3A_144, %dma_start3A_145] : memref<4x80x128xf32, #tpu.memory_space<vmem>> -> memref<1x80x128xf32, #tpu.memory_space<vmem>>
    %dma_start3A_147 = tpu.memref_squeeze %dma_start3A_146 : memref<1x80x128xf32, #tpu.memory_space<vmem>> -> memref<80x128xf32, #tpu.memory_space<vmem>>
    %dma_start3A_148 = arith.constant 0 : i32
    %dma_start3A_149 = tpu.memref_slice %arg7[%dma_start3A_141, %dma_start3A_148] : memref<5x80xi32, #tpu.memory_space<vmem>> -> memref<1x80xi32, #tpu.memory_space<vmem>>
    %dma_start3A_150 = tpu.memref_squeeze %dma_start3A_149 : memref<1x80xi32, #tpu.memory_space<vmem>> -> memref<80xi32, #tpu.memory_space<vmem>>
    %dma_start3A_151 = arith.constant 0 : i32
    %dma_start3A_152 = arith.constant 0 : i32
    %dma_start3A_153 = tpu.memref_slice %arg3[%dma_start3A_151, %dma_start3A_152] : memref<10000x128xf32, #tpu.memory_space<hbm>> -> memref<10000x128xf32, #tpu.memory_space<hbm>>
    %dma_start3A_154 = tpu.memref_slice %arg12[%dma_start3A_143] : memref<4x!tpu.dma_semaphore, #tpu.memory_space<semaphore_mem>> -> memref<1x!tpu.dma_semaphore, #tpu.memory_space<semaphore_mem>>
    %dma_start3A_155 = tpu.memref_squeeze %dma_start3A_154 : memref<1x!tpu.dma_semaphore, #tpu.memory_space<semaphore_mem>> -> memref<!tpu.dma_semaphore, #tpu.memory_space<semaphore_mem>>
    tpu.enqueue_indirect_dma source(%dma_start3A_153 : memref<10000x128xf32, #tpu.memory_space<hbm>>) target(%dma_start3A_147 : memref<80x128xf32, #tpu.memory_space<vmem>>) offsets(%dma_start3A_150 : memref<80xi32, #tpu.memory_space<vmem>>) semaphore(%dma_start3A_155 : memref<!tpu.dma_semaphore, #tpu.memory_space<semaphore_mem>>)
    %add3A_156 = arith.constant 80 : i32
    %add3A_157 = arith.addi %mul3A_2, %add3A_156 : i32
    %dma_wait3A_158 = arith.constant 1 : i32
    %dma_wait3A_159 = arith.constant 1 : i32
    %dma_wait3A_160 = arith.constant 0 : i32
    %dma_wait3A_161 = tpu.memref_slice %arg6[%dma_wait3A_158, %dma_wait3A_160] : memref<5x80xi32, #tpu.memory_space<vmem>> -> memref<1x80xi32, #tpu.memory_space<vmem>>
    %dma_wait3A_162 = tpu.memref_squeeze %dma_wait3A_161 : memref<1x80xi32, #tpu.memory_space<vmem>> -> memref<80xi32, #tpu.memory_space<vmem>>
    %dma_wait3A_163 = tpu.memref_slice %arg2[%add3A_157] : memref<640000xi32, #tpu.memory_space<hbm>> -> memref<80xi32, #tpu.memory_space<hbm>>
    %dma_wait3A_164 = tpu.memref_slice %arg10[%dma_wait3A_159] : memref<5x!tpu.dma_semaphore, #tpu.memory_space<semaphore_mem>> -> memref<1x!tpu.dma_semaphore, #tpu.memory_space<semaphore_mem>>
    %dma_wait3A_165 = tpu.memref_squeeze %dma_wait3A_164 : memref<1x!tpu.dma_semaphore, #tpu.memory_space<semaphore_mem>> -> memref<!tpu.dma_semaphore, #tpu.memory_space<semaphore_mem>>
    %dma_wait3A_166 = arith.constant 0 : i32
    %dma_wait3A_167 = tpu.memref_slice %arg6[%dma_wait3A_158, %dma_wait3A_166] : memref<5x80xi32, #tpu.memory_space<vmem>> -> memref<1x80xi32, #tpu.memory_space<vmem>>
    %dma_wait3A_168 = tpu.memref_squeeze %dma_wait3A_167 : memref<1x80xi32, #tpu.memory_space<vmem>> -> memref<80xi32, #tpu.memory_space<vmem>>
    %dma_wait3A_169 = tpu.memref_slice %arg2[%add3A_157] : memref<640000xi32, #tpu.memory_space<hbm>> -> memref<80xi32, #tpu.memory_space<hbm>>
    tpu.wait_dma2 semaphore(%dma_wait3A_165 : memref<!tpu.dma_semaphore, #tpu.memory_space<semaphore_mem>>) src(%dma_wait3A_169 : memref<80xi32, #tpu.memory_space<hbm>>) dst(%dma_wait3A_168 : memref<80xi32, #tpu.memory_space<vmem>>)
    %add3A_170 = arith.constant 320000 : i32
    %add3A_171 = arith.addi %add3A_170, %add3A_157 : i32
    %dma_wait3A_172 = arith.constant 1 : i32
    %dma_wait3A_173 = arith.constant 1 : i32
    %dma_wait3A_174 = arith.constant 0 : i32
    %dma_wait3A_175 = tpu.memref_slice %arg7[%dma_wait3A_172, %dma_wait3A_174] : memref<5x80xi32, #tpu.memory_space<vmem>> -> memref<1x80xi32, #tpu.memory_space<vmem>>
    %dma_wait3A_176 = tpu.memref_squeeze %dma_wait3A_175 : memref<1x80xi32, #tpu.memory_space<vmem>> -> memref<80xi32, #tpu.memory_space<vmem>>
    %dma_wait3A_177 = tpu.memref_slice %arg2[%add3A_171] : memref<640000xi32, #tpu.memory_space<hbm>> -> memref<80xi32, #tpu.memory_space<hbm>>
    %dma_wait3A_178 = tpu.memref_slice %arg11[%dma_wait3A_173] : memref<5x!tpu.dma_semaphore, #tpu.memory_space<semaphore_mem>> -> memref<1x!tpu.dma_semaphore, #tpu.memory_space<semaphore_mem>>
    %dma_wait3A_179 = tpu.memref_squeeze %dma_wait3A_178 : memref<1x!tpu.dma_semaphore, #tpu.memory_space<semaphore_mem>> -> memref<!tpu.dma_semaphore, #tpu.memory_space<semaphore_mem>>
    %dma_wait3A_180 = arith.constant 0 : i32
    %dma_wait3A_181 = tpu.memref_slice %arg7[%dma_wait3A_172, %dma_wait3A_180] : memref<5x80xi32, #tpu.memory_space<vmem>> -> memref<1x80xi32, #tpu.memory_space<vmem>>
    %dma_wait3A_182 = tpu.memref_squeeze %dma_wait3A_181 : memref<1x80xi32, #tpu.memory_space<vmem>> -> memref<80xi32, #tpu.memory_space<vmem>>
    %dma_wait3A_183 = tpu.memref_slice %arg2[%add3A_171] : memref<640000xi32, #tpu.memory_space<hbm>> -> memref<80xi32, #tpu.memory_space<hbm>>
    tpu.wait_dma2 semaphore(%dma_wait3A_179 : memref<!tpu.dma_semaphore, #tpu.memory_space<semaphore_mem>>) src(%dma_wait3A_183 : memref<80xi32, #tpu.memory_space<hbm>>) dst(%dma_wait3A_182 : memref<80xi32, #tpu.memory_space<vmem>>)
    %dma_start3A_184 = arith.constant 1 : i32
    %dma_start3A_185 = arith.constant 1 : i32
    %dma_start3A_186 = arith.constant 1 : i32
    %dma_start3A_187 = arith.constant 0 : i32
    %dma_start3A_188 = arith.constant 0 : i32
    %dma_start3A_189 = tpu.memref_slice %arg8[%dma_start3A_185, %dma_start3A_187, %dma_start3A_188] : memref<4x80x128xf32, #tpu.memory_space<vmem>> -> memref<1x80x128xf32, #tpu.memory_space<vmem>>
    %dma_start3A_190 = tpu.memref_squeeze %dma_start3A_189 : memref<1x80x128xf32, #tpu.memory_space<vmem>> -> memref<80x128xf32, #tpu.memory_space<vmem>>
    %dma_start3A_191 = arith.constant 0 : i32
    %dma_start3A_192 = tpu.memref_slice %arg7[%dma_start3A_184, %dma_start3A_191] : memref<5x80xi32, #tpu.memory_space<vmem>> -> memref<1x80xi32, #tpu.memory_space<vmem>>
    %dma_start3A_193 = tpu.memref_squeeze %dma_start3A_192 : memref<1x80xi32, #tpu.memory_space<vmem>> -> memref<80xi32, #tpu.memory_space<vmem>>
    %dma_start3A_194 = arith.constant 0 : i32
    %dma_start3A_195 = arith.constant 0 : i32
    %dma_start3A_196 = tpu.memref_slice %arg3[%dma_start3A_194, %dma_start3A_195] : memref<10000x128xf32, #tpu.memory_space<hbm>> -> memref<10000x128xf32, #tpu.memory_space<hbm>>
    %dma_start3A_197 = tpu.memref_slice %arg12[%dma_start3A_186] : memref<4x!tpu.dma_semaphore, #tpu.memory_space<semaphore_mem>> -> memref<1x!tpu.dma_semaphore, #tpu.memory_space<semaphore_mem>>
    %dma_start3A_198 = tpu.memref_squeeze %dma_start3A_197 : memref<1x!tpu.dma_semaphore, #tpu.memory_space<semaphore_mem>> -> memref<!tpu.dma_semaphore, #tpu.memory_space<semaphore_mem>>
    tpu.enqueue_indirect_dma source(%dma_start3A_196 : memref<10000x128xf32, #tpu.memory_space<hbm>>) target(%dma_start3A_190 : memref<80x128xf32, #tpu.memory_space<vmem>>) offsets(%dma_start3A_193 : memref<80xi32, #tpu.memory_space<vmem>>) semaphore(%dma_start3A_198 : memref<!tpu.dma_semaphore, #tpu.memory_space<semaphore_mem>>)
    %add3A_199 = arith.constant 160 : i32
    %add3A_200 = arith.addi %mul3A_2, %add3A_199 : i32
    %dma_wait3A_201 = arith.constant 2 : i32
    %dma_wait3A_202 = arith.constant 2 : i32
    %dma_wait3A_203 = arith.constant 0 : i32
    %dma_wait3A_204 = tpu.memref_slice %arg6[%dma_wait3A_201, %dma_wait3A_203] : memref<5x80xi32, #tpu.memory_space<vmem>> -> memref<1x80xi32, #tpu.memory_space<vmem>>
    %dma_wait3A_205 = tpu.memref_squeeze %dma_wait3A_204 : memref<1x80xi32, #tpu.memory_space<vmem>> -> memref<80xi32, #tpu.memory_space<vmem>>
    %dma_wait3A_206 = tpu.memref_slice %arg2[%add3A_200] : memref<640000xi32, #tpu.memory_space<hbm>> -> memref<80xi32, #tpu.memory_space<hbm>>
    %dma_wait3A_207 = tpu.memref_slice %arg10[%dma_wait3A_202] : memref<5x!tpu.dma_semaphore, #tpu.memory_space<semaphore_mem>> -> memref<1x!tpu.dma_semaphore, #tpu.memory_space<semaphore_mem>>
    %dma_wait3A_208 = tpu.memref_squeeze %dma_wait3A_207 : memref<1x!tpu.dma_semaphore, #tpu.memory_space<semaphore_mem>> -> memref<!tpu.dma_semaphore, #tpu.memory_space<semaphore_mem>>
    %dma_wait3A_209 = arith.constant 0 : i32
    %dma_wait3A_210 = tpu.memref_slice %arg6[%dma_wait3A_201, %dma_wait3A_209] : memref<5x80xi32, #tpu.memory_space<vmem>> -> memref<1x80xi32, #tpu.memory_space<vmem>>
    %dma_wait3A_211 = tpu.memref_squeeze %dma_wait3A_210 : memref<1x80xi32, #tpu.memory_space<vmem>> -> memref<80xi32, #tpu.memory_space<vmem>>
    %dma_wait3A_212 = tpu.memref_slice %arg2[%add3A_200] : memref<640000xi32, #tpu.memory_space<hbm>> -> memref<80xi32, #tpu.memory_space<hbm>>
    tpu.wait_dma2 semaphore(%dma_wait3A_208 : memref<!tpu.dma_semaphore, #tpu.memory_space<semaphore_mem>>) src(%dma_wait3A_212 : memref<80xi32, #tpu.memory_space<hbm>>) dst(%dma_wait3A_211 : memref<80xi32, #tpu.memory_space<vmem>>)
    %add3A_213 = arith.constant 320000 : i32
    %add3A_214 = arith.addi %add3A_213, %add3A_200 : i32
    %dma_wait3A_215 = arith.constant 2 : i32
    %dma_wait3A_216 = arith.constant 2 : i32
    %dma_wait3A_217 = arith.constant 0 : i32
    %dma_wait3A_218 = tpu.memref_slice %arg7[%dma_wait3A_215, %dma_wait3A_217] : memref<5x80xi32, #tpu.memory_space<vmem>> -> memref<1x80xi32, #tpu.memory_space<vmem>>
    %dma_wait3A_219 = tpu.memref_squeeze %dma_wait3A_218 : memref<1x80xi32, #tpu.memory_space<vmem>> -> memref<80xi32, #tpu.memory_space<vmem>>
    %dma_wait3A_220 = tpu.memref_slice %arg2[%add3A_214] : memref<640000xi32, #tpu.memory_space<hbm>> -> memref<80xi32, #tpu.memory_space<hbm>>
    %dma_wait3A_221 = tpu.memref_slice %arg11[%dma_wait3A_216] : memref<5x!tpu.dma_semaphore, #tpu.memory_space<semaphore_mem>> -> memref<1x!tpu.dma_semaphore, #tpu.memory_space<semaphore_mem>>
    %dma_wait3A_222 = tpu.memref_squeeze %dma_wait3A_221 : memref<1x!tpu.dma_semaphore, #tpu.memory_space<semaphore_mem>> -> memref<!tpu.dma_semaphore, #tpu.memory_space<semaphore_mem>>
    %dma_wait3A_223 = arith.constant 0 : i32
    %dma_wait3A_224 = tpu.memref_slice %arg7[%dma_wait3A_215, %dma_wait3A_223] : memref<5x80xi32, #tpu.memory_space<vmem>> -> memref<1x80xi32, #tpu.memory_space<vmem>>
    %dma_wait3A_225 = tpu.memref_squeeze %dma_wait3A_224 : memref<1x80xi32, #tpu.memory_space<vmem>> -> memref<80xi32, #tpu.memory_space<vmem>>
    %dma_wait3A_226 = tpu.memref_slice %arg2[%add3A_214] : memref<640000xi32, #tpu.memory_space<hbm>> -> memref<80xi32, #tpu.memory_space<hbm>>
    tpu.wait_dma2 semaphore(%dma_wait3A_222 : memref<!tpu.dma_semaphore, #tpu.memory_space<semaphore_mem>>) src(%dma_wait3A_226 : memref<80xi32, #tpu.memory_space<hbm>>) dst(%dma_wait3A_225 : memref<80xi32, #tpu.memory_space<vmem>>)
    %dma_start3A_227 = arith.constant 2 : i32
    %dma_start3A_228 = arith.constant 2 : i32
    %dma_start3A_229 = arith.constant 2 : i32
    %dma_start3A_230 = arith.constant 0 : i32
    %dma_start3A_231 = arith.constant 0 : i32
    %dma_start3A_232 = tpu.memref_slice %arg8[%dma_start3A_228, %dma_start3A_230, %dma_start3A_231] : memref<4x80x128xf32, #tpu.memory_space<vmem>> -> memref<1x80x128xf32, #tpu.memory_space<vmem>>
    %dma_start3A_233 = tpu.memref_squeeze %dma_start3A_232 : memref<1x80x128xf32, #tpu.memory_space<vmem>> -> memref<80x128xf32, #tpu.memory_space<vmem>>
    %dma_start3A_234 = arith.constant 0 : i32
    %dma_start3A_235 = tpu.memref_slice %arg7[%dma_start3A_227, %dma_start3A_234] : memref<5x80xi32, #tpu.memory_space<vmem>> -> memref<1x80xi32, #tpu.memory_space<vmem>>
    %dma_start3A_236 = tpu.memref_squeeze %dma_start3A_235 : memref<1x80xi32, #tpu.memory_space<vmem>> -> memref<80xi32, #tpu.memory_space<vmem>>
    %dma_start3A_237 = arith.constant 0 : i32
    %dma_start3A_238 = arith.constant 0 : i32
    %dma_start3A_239 = tpu.memref_slice %arg3[%dma_start3A_237, %dma_start3A_238] : memref<10000x128xf32, #tpu.memory_space<hbm>> -> memref<10000x128xf32, #tpu.memory_space<hbm>>
    %dma_start3A_240 = tpu.memref_slice %arg12[%dma_start3A_229] : memref<4x!tpu.dma_semaphore, #tpu.memory_space<semaphore_mem>> -> memref<1x!tpu.dma_semaphore, #tpu.memory_space<semaphore_mem>>
    %dma_start3A_241 = tpu.memref_squeeze %dma_start3A_240 : memref<1x!tpu.dma_semaphore, #tpu.memory_space<semaphore_mem>> -> memref<!tpu.dma_semaphore, #tpu.memory_space<semaphore_mem>>
    tpu.enqueue_indirect_dma source(%dma_start3A_239 : memref<10000x128xf32, #tpu.memory_space<hbm>>) target(%dma_start3A_233 : memref<80x128xf32, #tpu.memory_space<vmem>>) offsets(%dma_start3A_236 : memref<80xi32, #tpu.memory_space<vmem>>) semaphore(%dma_start3A_241 : memref<!tpu.dma_semaphore, #tpu.memory_space<semaphore_mem>>)
    %add3A_242 = arith.constant 240 : i32
    %add3A_243 = arith.addi %mul3A_2, %add3A_242 : i32
    %dma_wait3A_244 = arith.constant 3 : i32
    %dma_wait3A_245 = arith.constant 3 : i32
    %dma_wait3A_246 = arith.constant 0 : i32
    %dma_wait3A_247 = tpu.memref_slice %arg6[%dma_wait3A_244, %dma_wait3A_246] : memref<5x80xi32, #tpu.memory_space<vmem>> -> memref<1x80xi32, #tpu.memory_space<vmem>>
    %dma_wait3A_248 = tpu.memref_squeeze %dma_wait3A_247 : memref<1x80xi32, #tpu.memory_space<vmem>> -> memref<80xi32, #tpu.memory_space<vmem>>
    %dma_wait3A_249 = tpu.memref_slice %arg2[%add3A_243] : memref<640000xi32, #tpu.memory_space<hbm>> -> memref<80xi32, #tpu.memory_space<hbm>>
    %dma_wait3A_250 = tpu.memref_slice %arg10[%dma_wait3A_245] : memref<5x!tpu.dma_semaphore, #tpu.memory_space<semaphore_mem>> -> memref<1x!tpu.dma_semaphore, #tpu.memory_space<semaphore_mem>>
    %dma_wait3A_251 = tpu.memref_squeeze %dma_wait3A_250 : memref<1x!tpu.dma_semaphore, #tpu.memory_space<semaphore_mem>> -> memref<!tpu.dma_semaphore, #tpu.memory_space<semaphore_mem>>
    %dma_wait3A_252 = arith.constant 0 : i32
    %dma_wait3A_253 = tpu.memref_slice %arg6[%dma_wait3A_244, %dma_wait3A_252] : memref<5x80xi32, #tpu.memory_space<vmem>> -> memref<1x80xi32, #tpu.memory_space<vmem>>
    %dma_wait3A_254 = tpu.memref_squeeze %dma_wait3A_253 : memref<1x80xi32, #tpu.memory_space<vmem>> -> memref<80xi32, #tpu.memory_space<vmem>>
    %dma_wait3A_255 = tpu.memref_slice %arg2[%add3A_243] : memref<640000xi32, #tpu.memory_space<hbm>> -> memref<80xi32, #tpu.memory_space<hbm>>
    tpu.wait_dma2 semaphore(%dma_wait3A_251 : memref<!tpu.dma_semaphore, #tpu.memory_space<semaphore_mem>>) src(%dma_wait3A_255 : memref<80xi32, #tpu.memory_space<hbm>>) dst(%dma_wait3A_254 : memref<80xi32, #tpu.memory_space<vmem>>)
    %add3A_256 = arith.constant 320000 : i32
    %add3A_257 = arith.addi %add3A_256, %add3A_243 : i32
    %dma_wait3A_258 = arith.constant 3 : i32
    %dma_wait3A_259 = arith.constant 3 : i32
    %dma_wait3A_260 = arith.constant 0 : i32
    %dma_wait3A_261 = tpu.memref_slice %arg7[%dma_wait3A_258, %dma_wait3A_260] : memref<5x80xi32, #tpu.memory_space<vmem>> -> memref<1x80xi32, #tpu.memory_space<vmem>>
    %dma_wait3A_262 = tpu.memref_squeeze %dma_wait3A_261 : memref<1x80xi32, #tpu.memory_space<vmem>> -> memref<80xi32, #tpu.memory_space<vmem>>
    %dma_wait3A_263 = tpu.memref_slice %arg2[%add3A_257] : memref<640000xi32, #tpu.memory_space<hbm>> -> memref<80xi32, #tpu.memory_space<hbm>>
    %dma_wait3A_264 = tpu.memref_slice %arg11[%dma_wait3A_259] : memref<5x!tpu.dma_semaphore, #tpu.memory_space<semaphore_mem>> -> memref<1x!tpu.dma_semaphore, #tpu.memory_space<semaphore_mem>>
    %dma_wait3A_265 = tpu.memref_squeeze %dma_wait3A_264 : memref<1x!tpu.dma_semaphore, #tpu.memory_space<semaphore_mem>> -> memref<!tpu.dma_semaphore, #tpu.memory_space<semaphore_mem>>
    %dma_wait3A_266 = arith.constant 0 : i32
    %dma_wait3A_267 = tpu.memref_slice %arg7[%dma_wait3A_258, %dma_wait3A_266] : memref<5x80xi32, #tpu.memory_space<vmem>> -> memref<1x80xi32, #tpu.memory_space<vmem>>
    %dma_wait3A_268 = tpu.memref_squeeze %dma_wait3A_267 : memref<1x80xi32, #tpu.memory_space<vmem>> -> memref<80xi32, #tpu.memory_space<vmem>>
    %dma_wait3A_269 = tpu.memref_slice %arg2[%add3A_257] : memref<640000xi32, #tpu.memory_space<hbm>> -> memref<80xi32, #tpu.memory_space<hbm>>
    tpu.wait_dma2 semaphore(%dma_wait3A_265 : memref<!tpu.dma_semaphore, #tpu.memory_space<semaphore_mem>>) src(%dma_wait3A_269 : memref<80xi32, #tpu.memory_space<hbm>>) dst(%dma_wait3A_268 : memref<80xi32, #tpu.memory_space<vmem>>)
    %dma_start3A_270 = arith.constant 3 : i32
    %dma_start3A_271 = arith.constant 3 : i32
    %dma_start3A_272 = arith.constant 3 : i32
    %dma_start3A_273 = arith.constant 0 : i32
    %dma_start3A_274 = arith.constant 0 : i32
    %dma_start3A_275 = tpu.memref_slice %arg8[%dma_start3A_271, %dma_start3A_273, %dma_start3A_274] : memref<4x80x128xf32, #tpu.memory_space<vmem>> -> memref<1x80x128xf32, #tpu.memory_space<vmem>>
    %dma_start3A_276 = tpu.memref_squeeze %dma_start3A_275 : memref<1x80x128xf32, #tpu.memory_space<vmem>> -> memref<80x128xf32, #tpu.memory_space<vmem>>
    %dma_start3A_277 = arith.constant 0 : i32
    %dma_start3A_278 = tpu.memref_slice %arg7[%dma_start3A_270, %dma_start3A_277] : memref<5x80xi32, #tpu.memory_space<vmem>> -> memref<1x80xi32, #tpu.memory_space<vmem>>
    %dma_start3A_279 = tpu.memref_squeeze %dma_start3A_278 : memref<1x80xi32, #tpu.memory_space<vmem>> -> memref<80xi32, #tpu.memory_space<vmem>>
    %dma_start3A_280 = arith.constant 0 : i32
    %dma_start3A_281 = arith.constant 0 : i32
    %dma_start3A_282 = tpu.memref_slice %arg3[%dma_start3A_280, %dma_start3A_281] : memref<10000x128xf32, #tpu.memory_space<hbm>> -> memref<10000x128xf32, #tpu.memory_space<hbm>>
    %dma_start3A_283 = tpu.memref_slice %arg12[%dma_start3A_272] : memref<4x!tpu.dma_semaphore, #tpu.memory_space<semaphore_mem>> -> memref<1x!tpu.dma_semaphore, #tpu.memory_space<semaphore_mem>>
    %dma_start3A_284 = tpu.memref_squeeze %dma_start3A_283 : memref<1x!tpu.dma_semaphore, #tpu.memory_space<semaphore_mem>> -> memref<!tpu.dma_semaphore, #tpu.memory_space<semaphore_mem>>
    tpu.enqueue_indirect_dma source(%dma_start3A_282 : memref<10000x128xf32, #tpu.memory_space<hbm>>) target(%dma_start3A_276 : memref<80x128xf32, #tpu.memory_space<vmem>>) offsets(%dma_start3A_279 : memref<80xi32, #tpu.memory_space<vmem>>) semaphore(%dma_start3A_284 : memref<!tpu.dma_semaphore, #tpu.memory_space<semaphore_mem>>)
    %mul3A_285 = arith.constant 624 : i32
    %mul3A_286 = arith.muli %arg1, %mul3A_285 : i32
    %lt3A = arith.constant 15 : i32
    %lt3A_287 = arith.cmpi slt, %arg1, %lt3A : i32
    %convert_element_type3A = arith.extui %lt3A_287 : i1 to i32
    %cond3A = arith.constant 0 : i32
    %cond3A_288 = arith.cmpi ne, %convert_element_type3A, %cond3A : i32
    scf.if %cond3A_288 {
      "tpu.region"() ({
        %run_scoped3A = tpu.sem_alloc : memref<!tpu.dma_semaphore, #tpu.memory_space<semaphore_mem>>
        %dma_start3A_309 = arith.constant 0 : i32
        %dma_start3A_310 = tpu.memref_slice %arg9[%mul3A_286, %dma_start3A_309] : memref<10008x128xf32, #tpu.memory_space<vmem_shared>> -> memref<624x128xf32, #tpu.memory_space<vmem_shared>>
        %dma_start3A_311 = arith.constant 0 : i32
        %dma_start3A_312 = arith.constant 0 : i32
        %dma_start3A_313 = tpu.memref_slice %arg4[%dma_start3A_311, %dma_start3A_312] : memref<640x128xf32, #tpu.memory_space<hbm>> -> memref<624x128xf32, #tpu.memory_space<hbm>>
        tpu.enqueue_dma source(%dma_start3A_313 : memref<624x128xf32, #tpu.memory_space<hbm>>) target(%dma_start3A_310 : memref<624x128xf32, #tpu.memory_space<vmem_shared>>) target_semaphore(%run_scoped3A : memref<!tpu.dma_semaphore, #tpu.memory_space<semaphore_mem>>)
        %dma_wait3A_314 = arith.constant 0 : i32
        %dma_wait3A_315 = tpu.memref_slice %arg9[%mul3A_286, %dma_wait3A_314] : memref<10008x128xf32, #tpu.memory_space<vmem_shared>> -> memref<624x128xf32, #tpu.memory_space<vmem_shared>>
        %dma_wait3A_316 = arith.constant 0 : i32
        %dma_wait3A_317 = arith.constant 0 : i32
        %dma_wait3A_318 = tpu.memref_slice %arg4[%dma_wait3A_316, %dma_wait3A_317] : memref<640x128xf32, #tpu.memory_space<hbm>> -> memref<624x128xf32, #tpu.memory_space<hbm>>
        tpu.wait_dma2 semaphore(%run_scoped3A : memref<!tpu.dma_semaphore, #tpu.memory_space<semaphore_mem>>) src(%dma_wait3A_318 : memref<624x128xf32, #tpu.memory_space<hbm>>) dst(%dma_wait3A_315 : memref<624x128xf32, #tpu.memory_space<vmem_shared>>)
        tpu.yield
      }) : () -> ()
    } else {
    }
    %eq3A = arith.constant 15 : i32
    %eq3A_289 = arith.cmpi eq, %arg1, %eq3A : i32
    %convert_element_type3A_290 = arith.extui %eq3A_289 : i1 to i32
    %cond3A_291 = arith.constant 0 : i32
    %cond3A_292 = arith.cmpi ne, %convert_element_type3A_290, %cond3A_291 : i32
    scf.if %cond3A_292 {
      "tpu.region"() ({
        %run_scoped3A = tpu.sem_alloc : memref<!tpu.dma_semaphore, #tpu.memory_space<semaphore_mem>>
        %dma_start3A_309 = arith.constant 9360 : i32
        %dma_start3A_310 = arith.constant 0 : i32
        %dma_start3A_311 = tpu.memref_slice %arg9[%dma_start3A_309, %dma_start3A_310] : memref<10008x128xf32, #tpu.memory_space<vmem_shared>> -> memref<640x128xf32, #tpu.memory_space<vmem_shared>>
        tpu.enqueue_dma source(%arg4 : memref<640x128xf32, #tpu.memory_space<hbm>>) target(%dma_start3A_311 : memref<640x128xf32, #tpu.memory_space<vmem_shared>>) target_semaphore(%run_scoped3A : memref<!tpu.dma_semaphore, #tpu.memory_space<semaphore_mem>>)
        %dma_wait3A_312 = arith.constant 9360 : i32
        %dma_wait3A_313 = arith.constant 0 : i32
        %dma_wait3A_314 = tpu.memref_slice %arg9[%dma_wait3A_312, %dma_wait3A_313] : memref<10008x128xf32, #tpu.memory_space<vmem_shared>> -> memref<640x128xf32, #tpu.memory_space<vmem_shared>>
        tpu.wait_dma2 semaphore(%run_scoped3A : memref<!tpu.dma_semaphore, #tpu.memory_space<semaphore_mem>>) src(%arg4 : memref<640x128xf32, #tpu.memory_space<hbm>>) dst(%dma_wait3A_314 : memref<640x128xf32, #tpu.memory_space<vmem_shared>>)
        tpu.yield
      }) : () -> ()
    } else {
    }
    %barrier3A = arith.constant 0 : index
    tpu.barrier barrier_id(%barrier3A)
    %scan3A = arith.constant 0 : i32
    %scan3A_293 = arith.constant 0 : i32
    %scan3A_294 = arith.constant 125 : i32
    %scan3A_295 = arith.addi %scan3A_293, %scan3A_294 : i32
    %scan3A_296 = arith.constant 1 : i32
    scf.for %scan3A_309 = %scan3A_293 to %scan3A_295 step %scan3A_296  : i32 {
      %rem3A = arith.constant 4 : i32
      %rem3A_310 = arith.remsi %scan3A_309, %rem3A : i32
      %rem3A_311 = arith.constant 5 : i32
      %rem3A_312 = arith.remsi %scan3A_309, %rem3A_311 : i32
      %add3A_313 = arith.constant 4 : i32
      %add3A_314 = arith.addi %scan3A_309, %add3A_313 : i32
      %rem3A_315 = arith.constant 5 : i32
      %rem3A_316 = arith.remsi %add3A_314, %rem3A_315 : i32
      %lt3A_317 = arith.constant 125 : i32
      %lt3A_318 = arith.cmpi slt, %add3A_314, %lt3A_317 : i32
      %convert_element_type3A_319 = arith.extui %lt3A_318 : i1 to i32
      %cond3A_320 = arith.constant 0 : i32
      %cond3A_321 = arith.cmpi ne, %convert_element_type3A_319, %cond3A_320 : i32
      scf.if %cond3A_321 {
        %mul3A_337 = arith.constant 80 : i32
        %mul3A_338 = arith.muli %add3A_314, %mul3A_337 : i32
        %add3A_339 = arith.addi %mul3A_2, %mul3A_338 : i32
        %dma_start3A_340 = arith.constant 0 : i32
        %dma_start3A_341 = tpu.memref_slice %arg6[%rem3A_316, %dma_start3A_340] : memref<5x80xi32, #tpu.memory_space<vmem>> -> memref<1x80xi32, #tpu.memory_space<vmem>>
        %dma_start3A_342 = tpu.memref_squeeze %dma_start3A_341 : memref<1x80xi32, #tpu.memory_space<vmem>> -> memref<80xi32, #tpu.memory_space<vmem>>
        %dma_start3A_343 = tpu.memref_slice %arg2[%add3A_339] : memref<640000xi32, #tpu.memory_space<hbm>> -> memref<80xi32, #tpu.memory_space<hbm>>
        %dma_start3A_344 = tpu.memref_slice %arg10[%rem3A_316] : memref<5x!tpu.dma_semaphore, #tpu.memory_space<semaphore_mem>> -> memref<1x!tpu.dma_semaphore, #tpu.memory_space<semaphore_mem>>
        %dma_start3A_345 = tpu.memref_squeeze %dma_start3A_344 : memref<1x!tpu.dma_semaphore, #tpu.memory_space<semaphore_mem>> -> memref<!tpu.dma_semaphore, #tpu.memory_space<semaphore_mem>>
        %dma_start3A_346 = arith.constant 0 : i32
        %dma_start3A_347 = tpu.memref_slice %arg6[%rem3A_316, %dma_start3A_346] : memref<5x80xi32, #tpu.memory_space<vmem>> -> memref<1x80xi32, #tpu.memory_space<vmem>>
        %dma_start3A_348 = tpu.memref_squeeze %dma_start3A_347 : memref<1x80xi32, #tpu.memory_space<vmem>> -> memref<80xi32, #tpu.memory_space<vmem>>
        %dma_start3A_349 = tpu.memref_slice %arg2[%add3A_339] : memref<640000xi32, #tpu.memory_space<hbm>> -> memref<80xi32, #tpu.memory_space<hbm>>
        tpu.enqueue_dma source(%dma_start3A_349 : memref<80xi32, #tpu.memory_space<hbm>>) target(%dma_start3A_348 : memref<80xi32, #tpu.memory_space<vmem>>) target_semaphore(%dma_start3A_345 : memref<!tpu.dma_semaphore, #tpu.memory_space<semaphore_mem>>)
        %add3A_350 = arith.constant 320000 : i32
        %add3A_351 = arith.addi %add3A_350, %add3A_339 : i32
        %dma_start3A_352 = arith.constant 0 : i32
        %dma_start3A_353 = tpu.memref_slice %arg7[%rem3A_316, %dma_start3A_352] : memref<5x80xi32, #tpu.memory_space<vmem>> -> memref<1x80xi32, #tpu.memory_space<vmem>>
        %dma_start3A_354 = tpu.memref_squeeze %dma_start3A_353 : memref<1x80xi32, #tpu.memory_space<vmem>> -> memref<80xi32, #tpu.memory_space<vmem>>
        %dma_start3A_355 = tpu.memref_slice %arg2[%add3A_351] : memref<640000xi32, #tpu.memory_space<hbm>> -> memref<80xi32, #tpu.memory_space<hbm>>
        %dma_start3A_356 = tpu.memref_slice %arg11[%rem3A_316] : memref<5x!tpu.dma_semaphore, #tpu.memory_space<semaphore_mem>> -> memref<1x!tpu.dma_semaphore, #tpu.memory_space<semaphore_mem>>
        %dma_start3A_357 = tpu.memref_squeeze %dma_start3A_356 : memref<1x!tpu.dma_semaphore, #tpu.memory_space<semaphore_mem>> -> memref<!tpu.dma_semaphore, #tpu.memory_space<semaphore_mem>>
        %dma_start3A_358 = arith.constant 0 : i32
        %dma_start3A_359 = tpu.memref_slice %arg7[%rem3A_316, %dma_start3A_358] : memref<5x80xi32, #tpu.memory_space<vmem>> -> memref<1x80xi32, #tpu.memory_space<vmem>>
        %dma_start3A_360 = tpu.memref_squeeze %dma_start3A_359 : memref<1x80xi32, #tpu.memory_space<vmem>> -> memref<80xi32, #tpu.memory_space<vmem>>
        %dma_start3A_361 = tpu.memref_slice %arg2[%add3A_351] : memref<640000xi32, #tpu.memory_space<hbm>> -> memref<80xi32, #tpu.memory_space<hbm>>
        tpu.enqueue_dma source(%dma_start3A_361 : memref<80xi32, #tpu.memory_space<hbm>>) target(%dma_start3A_360 : memref<80xi32, #tpu.memory_space<vmem>>) target_semaphore(%dma_start3A_357 : memref<!tpu.dma_semaphore, #tpu.memory_space<semaphore_mem>>)
      } else {
      }
      %dma_wait3A_322 = arith.constant 0 : i32
      %dma_wait3A_323 = arith.constant 0 : i32
      %dma_wait3A_324 = tpu.memref_slice %arg8[%rem3A_310, %dma_wait3A_322, %dma_wait3A_323] : memref<4x80x128xf32, #tpu.memory_space<vmem>> -> memref<1x80x128xf32, #tpu.memory_space<vmem>>
      %dma_wait3A_325 = tpu.memref_squeeze %dma_wait3A_324 : memref<1x80x128xf32, #tpu.memory_space<vmem>> -> memref<80x128xf32, #tpu.memory_space<vmem>>
      %dma_wait3A_326 = arith.constant 0 : i32
      %dma_wait3A_327 = tpu.memref_slice %arg7[%rem3A_312, %dma_wait3A_326] : memref<5x80xi32, #tpu.memory_space<vmem>> -> memref<1x80xi32, #tpu.memory_space<vmem>>
      %dma_wait3A_328 = tpu.memref_squeeze %dma_wait3A_327 : memref<1x80xi32, #tpu.memory_space<vmem>> -> memref<80xi32, #tpu.memory_space<vmem>>
      %dma_wait3A_329 = arith.constant 0 : i32
      %dma_wait3A_330 = arith.constant 0 : i32
      %dma_wait3A_331 = tpu.memref_slice %arg3[%dma_wait3A_329, %dma_wait3A_330] : memref<10000x128xf32, #tpu.memory_space<hbm>> -> memref<10000x128xf32, #tpu.memory_space<hbm>>
      %dma_wait3A_332 = tpu.memref_slice %arg12[%rem3A_310] : memref<4x!tpu.dma_semaphore, #tpu.memory_space<semaphore_mem>> -> memref<1x!tpu.dma_semaphore, #tpu.memory_space<semaphore_mem>>
      %dma_wait3A_333 = tpu.memref_squeeze %dma_wait3A_332 : memref<1x!tpu.dma_semaphore, #tpu.memory_space<semaphore_mem>> -> memref<!tpu.dma_semaphore, #tpu.memory_space<semaphore_mem>>
      tpu.wait_indirect_dma semaphore(%dma_wait3A_333 : memref<!tpu.dma_semaphore, #tpu.memory_space<semaphore_mem>>) src(%dma_wait3A_331 : memref<10000x128xf32, #tpu.memory_space<hbm>>) dst(%dma_wait3A_325 : memref<80x128xf32, #tpu.memory_space<vmem>>)
      "tpu.region"() ({
        %run_scoped3A = tpu.sem_alloc : memref<!tpu.dma_semaphore, #tpu.memory_space<semaphore_mem>>
        %dma_start3A_337 = arith.constant 0 : i32
        %dma_start3A_338 = arith.constant 0 : i32
        %dma_start3A_339 = tpu.memref_slice %arg8[%rem3A_310, %dma_start3A_337, %dma_start3A_338] : memref<4x80x128xf32, #tpu.memory_space<vmem>> -> memref<1x80x128xf32, #tpu.memory_space<vmem>>
        %dma_start3A_340 = tpu.memref_squeeze %dma_start3A_339 : memref<1x80x128xf32, #tpu.memory_space<vmem>> -> memref<80x128xf32, #tpu.memory_space<vmem>>
        %dma_start3A_341 = arith.constant 0 : i32
        %dma_start3A_342 = tpu.memref_slice %arg6[%rem3A_312, %dma_start3A_341] : memref<5x80xi32, #tpu.memory_space<vmem>> -> memref<1x80xi32, #tpu.memory_space<vmem>>
        %dma_start3A_343 = tpu.memref_squeeze %dma_start3A_342 : memref<1x80xi32, #tpu.memory_space<vmem>> -> memref<80xi32, #tpu.memory_space<vmem>>
        %dma_start3A_344 = arith.constant 0 : i32
        %dma_start3A_345 = arith.constant 0 : i32
        %dma_start3A_346 = tpu.memref_slice %arg9[%dma_start3A_344, %dma_start3A_345] : memref<10008x128xf32, #tpu.memory_space<vmem_shared>> -> memref<10008x128xf32, #tpu.memory_space<vmem_shared>>
        tpu.enqueue_indirect_dma source(%dma_start3A_340 : memref<80x128xf32, #tpu.memory_space<vmem>>) target(%dma_start3A_346 : memref<10008x128xf32, #tpu.memory_space<vmem_shared>>) offsets(%dma_start3A_343 : memref<80xi32, #tpu.memory_space<vmem>>) semaphore(%run_scoped3A : memref<!tpu.dma_semaphore, #tpu.memory_space<semaphore_mem>>) {add = true}
        %dma_wait3A_347 = arith.constant 0 : i32
        %dma_wait3A_348 = arith.constant 0 : i32
        %dma_wait3A_349 = tpu.memref_slice %arg8[%rem3A_310, %dma_wait3A_347, %dma_wait3A_348] : memref<4x80x128xf32, #tpu.memory_space<vmem>> -> memref<1x80x128xf32, #tpu.memory_space<vmem>>
        %dma_wait3A_350 = tpu.memref_squeeze %dma_wait3A_349 : memref<1x80x128xf32, #tpu.memory_space<vmem>> -> memref<80x128xf32, #tpu.memory_space<vmem>>
        %dma_wait3A_351 = arith.constant 0 : i32
        %dma_wait3A_352 = tpu.memref_slice %arg6[%rem3A_312, %dma_wait3A_351] : memref<5x80xi32, #tpu.memory_space<vmem>> -> memref<1x80xi32, #tpu.memory_space<vmem>>
        %dma_wait3A_353 = tpu.memref_squeeze %dma_wait3A_352 : memref<1x80xi32, #tpu.memory_space<vmem>> -> memref<80xi32, #tpu.memory_space<vmem>>
        %dma_wait3A_354 = arith.constant 0 : i32
        %dma_wait3A_355 = arith.constant 0 : i32
        %dma_wait3A_356 = tpu.memref_slice %arg9[%dma_wait3A_354, %dma_wait3A_355] : memref<10008x128xf32, #tpu.memory_space<vmem_shared>> -> memref<10008x128xf32, #tpu.memory_space<vmem_shared>>
        tpu.wait_indirect_dma semaphore(%run_scoped3A : memref<!tpu.dma_semaphore, #tpu.memory_space<semaphore_mem>>) src(%dma_wait3A_350 : memref<80x128xf32, #tpu.memory_space<vmem>>) dst(%dma_wait3A_356 : memref<10008x128xf32, #tpu.memory_space<vmem_shared>>)
        tpu.yield
      }) : () -> ()
      %convert_element_type3A_334 = arith.extui %lt3A_318 : i1 to i32
      %cond3A_335 = arith.constant 0 : i32
      %cond3A_336 = arith.cmpi ne, %convert_element_type3A_334, %cond3A_335 : i32
      scf.if %cond3A_336 {
        %mul3A_337 = arith.constant 80 : i32
        %mul3A_338 = arith.muli %add3A_314, %mul3A_337 : i32
        %add3A_339 = arith.addi %mul3A_2, %mul3A_338 : i32
        %dma_wait3A_340 = arith.constant 0 : i32
        %dma_wait3A_341 = tpu.memref_slice %arg6[%rem3A_316, %dma_wait3A_340] : memref<5x80xi32, #tpu.memory_space<vmem>> -> memref<1x80xi32, #tpu.memory_space<vmem>>
        %dma_wait3A_342 = tpu.memref_squeeze %dma_wait3A_341 : memref<1x80xi32, #tpu.memory_space<vmem>> -> memref<80xi32, #tpu.memory_space<vmem>>
        %dma_wait3A_343 = tpu.memref_slice %arg2[%add3A_339] : memref<640000xi32, #tpu.memory_space<hbm>> -> memref<80xi32, #tpu.memory_space<hbm>>
        %dma_wait3A_344 = tpu.memref_slice %arg10[%rem3A_316] : memref<5x!tpu.dma_semaphore, #tpu.memory_space<semaphore_mem>> -> memref<1x!tpu.dma_semaphore, #tpu.memory_space<semaphore_mem>>
        %dma_wait3A_345 = tpu.memref_squeeze %dma_wait3A_344 : memref<1x!tpu.dma_semaphore, #tpu.memory_space<semaphore_mem>> -> memref<!tpu.dma_semaphore, #tpu.memory_space<semaphore_mem>>
        %dma_wait3A_346 = arith.constant 0 : i32
        %dma_wait3A_347 = tpu.memref_slice %arg6[%rem3A_316, %dma_wait3A_346] : memref<5x80xi32, #tpu.memory_space<vmem>> -> memref<1x80xi32, #tpu.memory_space<vmem>>
        %dma_wait3A_348 = tpu.memref_squeeze %dma_wait3A_347 : memref<1x80xi32, #tpu.memory_space<vmem>> -> memref<80xi32, #tpu.memory_space<vmem>>
        %dma_wait3A_349 = tpu.memref_slice %arg2[%add3A_339] : memref<640000xi32, #tpu.memory_space<hbm>> -> memref<80xi32, #tpu.memory_space<hbm>>
        tpu.wait_dma2 semaphore(%dma_wait3A_345 : memref<!tpu.dma_semaphore, #tpu.memory_space<semaphore_mem>>) src(%dma_wait3A_349 : memref<80xi32, #tpu.memory_space<hbm>>) dst(%dma_wait3A_348 : memref<80xi32, #tpu.memory_space<vmem>>)
        %add3A_350 = arith.constant 320000 : i32
        %add3A_351 = arith.addi %add3A_350, %add3A_339 : i32
        %dma_wait3A_352 = arith.constant 0 : i32
        %dma_wait3A_353 = tpu.memref_slice %arg7[%rem3A_316, %dma_wait3A_352] : memref<5x80xi32, #tpu.memory_space<vmem>> -> memref<1x80xi32, #tpu.memory_space<vmem>>
        %dma_wait3A_354 = tpu.memref_squeeze %dma_wait3A_353 : memref<1x80xi32, #tpu.memory_space<vmem>> -> memref<80xi32, #tpu.memory_space<vmem>>
        %dma_wait3A_355 = tpu.memref_slice %arg2[%add3A_351] : memref<640000xi32, #tpu.memory_space<hbm>> -> memref<80xi32, #tpu.memory_space<hbm>>
        %dma_wait3A_356 = tpu.memref_slice %arg11[%rem3A_316] : memref<5x!tpu.dma_semaphore, #tpu.memory_space<semaphore_mem>> -> memref<1x!tpu.dma_semaphore, #tpu.memory_space<semaphore_mem>>
        %dma_wait3A_357 = tpu.memref_squeeze %dma_wait3A_356 : memref<1x!tpu.dma_semaphore, #tpu.memory_space<semaphore_mem>> -> memref<!tpu.dma_semaphore, #tpu.memory_space<semaphore_mem>>
        %dma_wait3A_358 = arith.constant 0 : i32
        %dma_wait3A_359 = tpu.memref_slice %arg7[%rem3A_316, %dma_wait3A_358] : memref<5x80xi32, #tpu.memory_space<vmem>> -> memref<1x80xi32, #tpu.memory_space<vmem>>
        %dma_wait3A_360 = tpu.memref_squeeze %dma_wait3A_359 : memref<1x80xi32, #tpu.memory_space<vmem>> -> memref<80xi32, #tpu.memory_space<vmem>>
        %dma_wait3A_361 = tpu.memref_slice %arg2[%add3A_351] : memref<640000xi32, #tpu.memory_space<hbm>> -> memref<80xi32, #tpu.memory_space<hbm>>
        tpu.wait_dma2 semaphore(%dma_wait3A_357 : memref<!tpu.dma_semaphore, #tpu.memory_space<semaphore_mem>>) src(%dma_wait3A_361 : memref<80xi32, #tpu.memory_space<hbm>>) dst(%dma_wait3A_360 : memref<80xi32, #tpu.memory_space<vmem>>)
        %dma_start3A_362 = arith.constant 0 : i32
        %dma_start3A_363 = arith.constant 0 : i32
        %dma_start3A_364 = tpu.memref_slice %arg8[%rem3A_310, %dma_start3A_362, %dma_start3A_363] : memref<4x80x128xf32, #tpu.memory_space<vmem>> -> memref<1x80x128xf32, #tpu.memory_space<vmem>>
        %dma_start3A_365 = tpu.memref_squeeze %dma_start3A_364 : memref<1x80x128xf32, #tpu.memory_space<vmem>> -> memref<80x128xf32, #tpu.memory_space<vmem>>
        %dma_start3A_366 = arith.constant 0 : i32
        %dma_start3A_367 = tpu.memref_slice %arg7[%rem3A_316, %dma_start3A_366] : memref<5x80xi32, #tpu.memory_space<vmem>> -> memref<1x80xi32, #tpu.memory_space<vmem>>
        %dma_start3A_368 = tpu.memref_squeeze %dma_start3A_367 : memref<1x80xi32, #tpu.memory_space<vmem>> -> memref<80xi32, #tpu.memory_space<vmem>>
        %dma_start3A_369 = arith.constant 0 : i32
        %dma_start3A_370 = arith.constant 0 : i32
        %dma_start3A_371 = tpu.memref_slice %arg3[%dma_start3A_369, %dma_start3A_370] : memref<10000x128xf32, #tpu.memory_space<hbm>> -> memref<10000x128xf32, #tpu.memory_space<hbm>>
        %dma_start3A_372 = tpu.memref_slice %arg12[%rem3A_310] : memref<4x!tpu.dma_semaphore, #tpu.memory_space<semaphore_mem>> -> memref<1x!tpu.dma_semaphore, #tpu.memory_space<semaphore_mem>>
        %dma_start3A_373 = tpu.memref_squeeze %dma_start3A_372 : memref<1x!tpu.dma_semaphore, #tpu.memory_space<semaphore_mem>> -> memref<!tpu.dma_semaphore, #tpu.memory_space<semaphore_mem>>
        tpu.enqueue_indirect_dma source(%dma_start3A_371 : memref<10000x128xf32, #tpu.memory_space<hbm>>) target(%dma_start3A_365 : memref<80x128xf32, #tpu.memory_space<vmem>>) offsets(%dma_start3A_368 : memref<80xi32, #tpu.memory_space<vmem>>) semaphore(%dma_start3A_373 : memref<!tpu.dma_semaphore, #tpu.memory_space<semaphore_mem>>)
      } else {
      }
    }
    %scan3A_297 = arith.constant 125 : i32
    %barrier3A_298 = arith.constant 0 : index
    tpu.barrier barrier_id(%barrier3A_298)
    %lt3A_299 = arith.constant 15 : i32
    %lt3A_300 = arith.cmpi slt, %arg1, %lt3A_299 : i32
    %convert_element_type3A_301 = arith.extui %lt3A_300 : i1 to i32
    %cond3A_302 = arith.constant 0 : i32
    %cond3A_303 = arith.cmpi ne, %convert_element_type3A_301, %cond3A_302 : i32
    scf.if %cond3A_303 {
      "tpu.region"() ({
        %run_scoped3A = tpu.sem_alloc : memref<!tpu.dma_semaphore, #tpu.memory_space<semaphore_mem>>
        %dma_start3A_309 = arith.constant 0 : i32
        %dma_start3A_310 = tpu.memref_slice %arg5[%arg0, %mul3A_286, %dma_start3A_309] : memref<2x10000x128xf32, #tpu.memory_space<hbm>> -> memref<1x624x128xf32, #tpu.memory_space<hbm>>
        %dma_start3A_311 = tpu.memref_squeeze %dma_start3A_310 : memref<1x624x128xf32, #tpu.memory_space<hbm>> -> memref<624x128xf32, #tpu.memory_space<hbm>>
        %dma_start3A_312 = arith.constant 0 : i32
        %dma_start3A_313 = tpu.memref_slice %arg9[%mul3A_286, %dma_start3A_312] : memref<10008x128xf32, #tpu.memory_space<vmem_shared>> -> memref<624x128xf32, #tpu.memory_space<vmem_shared>>
        tpu.enqueue_dma source(%dma_start3A_313 : memref<624x128xf32, #tpu.memory_space<vmem_shared>>) target(%dma_start3A_311 : memref<624x128xf32, #tpu.memory_space<hbm>>) target_semaphore(%run_scoped3A : memref<!tpu.dma_semaphore, #tpu.memory_space<semaphore_mem>>)
        %dma_wait3A_314 = arith.constant 0 : i32
        %dma_wait3A_315 = tpu.memref_slice %arg5[%arg0, %mul3A_286, %dma_wait3A_314] : memref<2x10000x128xf32, #tpu.memory_space<hbm>> -> memref<1x624x128xf32, #tpu.memory_space<hbm>>
        %dma_wait3A_316 = tpu.memref_squeeze %dma_wait3A_315 : memref<1x624x128xf32, #tpu.memory_space<hbm>> -> memref<624x128xf32, #tpu.memory_space<hbm>>
        %dma_wait3A_317 = arith.constant 0 : i32
        %dma_wait3A_318 = tpu.memref_slice %arg9[%mul3A_286, %dma_wait3A_317] : memref<10008x128xf32, #tpu.memory_space<vmem_shared>> -> memref<624x128xf32, #tpu.memory_space<vmem_shared>>
        tpu.wait_dma2 semaphore(%run_scoped3A : memref<!tpu.dma_semaphore, #tpu.memory_space<semaphore_mem>>) src(%dma_wait3A_318 : memref<624x128xf32, #tpu.memory_space<vmem_shared>>) dst(%dma_wait3A_316 : memref<624x128xf32, #tpu.memory_space<hbm>>)
        tpu.yield
      }) : () -> ()
    } else {
    }
    %eq3A_304 = arith.constant 15 : i32
    %eq3A_305 = arith.cmpi eq, %arg1, %eq3A_304 : i32
    %convert_element_type3A_306 = arith.extui %eq3A_305 : i1 to i32
    %cond3A_307 = arith.constant 0 : i32
    %cond3A_308 = arith.cmpi ne, %convert_element_type3A_306, %cond3A_307 : i32
    scf.if %cond3A_308 {
      "tpu.region"() ({
        %run_scoped3A = tpu.sem_alloc : memref<!tpu.dma_semaphore, #tpu.memory_space<semaphore_mem>>
        %dma_start3A_309 = arith.constant 9360 : i32
        %dma_start3A_310 = arith.constant 0 : i32
        %dma_start3A_311 = tpu.memref_slice %arg5[%arg0, %dma_start3A_309, %dma_start3A_310] : memref<2x10000x128xf32, #tpu.memory_space<hbm>> -> memref<1x640x128xf32, #tpu.memory_space<hbm>>
        %dma_start3A_312 = tpu.memref_squeeze %dma_start3A_311 : memref<1x640x128xf32, #tpu.memory_space<hbm>> -> memref<640x128xf32, #tpu.memory_space<hbm>>
        %dma_start3A_313 = arith.constant 9360 : i32
        %dma_start3A_314 = arith.constant 0 : i32
        %dma_start3A_315 = tpu.memref_slice %arg9[%dma_start3A_313, %dma_start3A_314] : memref<10008x128xf32, #tpu.memory_space<vmem_shared>> -> memref<640x128xf32, #tpu.memory_space<vmem_shared>>
        tpu.enqueue_dma source(%dma_start3A_315 : memref<640x128xf32, #tpu.memory_space<vmem_shared>>) target(%dma_start3A_312 : memref<640x128xf32, #tpu.memory_space<hbm>>) target_semaphore(%run_scoped3A : memref<!tpu.dma_semaphore, #tpu.memory_space<semaphore_mem>>)
        %dma_wait3A_316 = arith.constant 9360 : i32
        %dma_wait3A_317 = arith.constant 0 : i32
        %dma_wait3A_318 = tpu.memref_slice %arg5[%arg0, %dma_wait3A_316, %dma_wait3A_317] : memref<2x10000x128xf32, #tpu.memory_space<hbm>> -> memref<1x640x128xf32, #tpu.memory_space<hbm>>
        %dma_wait3A_319 = tpu.memref_squeeze %dma_wait3A_318 : memref<1x640x128xf32, #tpu.memory_space<hbm>> -> memref<640x128xf32, #tpu.memory_space<hbm>>
        %dma_wait3A_320 = arith.constant 9360 : i32
        %dma_wait3A_321 = arith.constant 0 : i32
        %dma_wait3A_322 = tpu.memref_slice %arg9[%dma_wait3A_320, %dma_wait3A_321] : memref<10008x128xf32, #tpu.memory_space<vmem_shared>> -> memref<640x128xf32, #tpu.memory_space<vmem_shared>>
        tpu.wait_dma2 semaphore(%run_scoped3A : memref<!tpu.dma_semaphore, #tpu.memory_space<semaphore_mem>>) src(%dma_wait3A_322 : memref<640x128xf32, #tpu.memory_space<vmem_shared>>) dst(%dma_wait3A_319 : memref<640x128xf32, #tpu.memory_space<hbm>>)
        tpu.yield
      }) : () -> ()
    } else {
    }
    return
  }
}

#map = affine_map<(d0, d1) -> (0)>
#map1 = affine_map<(d0, d1) -> (0, 0)>
#map2 = affine_map<(d0, d1) -> (0, 0, 0)>
module attributes {stable_mosaic.version = 14 : i64} {
  func.func @agg(%arg0: i32, %arg1: i32, %arg2: memref<640000xi32, #tpu.memory_space<hbm>>, %arg3: memref<10000x128xf32, #tpu.memory_space<hbm>>, %arg4: memref<640x128xf32, #tpu.memory_space<hbm>>, %arg5: memref<2x10000x128xf32, #tpu.memory_space<hbm>>, %arg6: memref<5x80xi32, #tpu.memory_space<vmem>>, %arg7: memref<5x80xi32, #tpu.memory_space<vmem>>, %arg8: memref<4x80x128xf32, #tpu.memory_space<vmem>>, %arg9: memref<10008x128xf32, #tpu.memory_space<vmem_shared>>, %arg10: memref<5x!tpu.dma_semaphore, #tpu.memory_space<semaphore_mem>>, %arg11: memref<5x!tpu.dma_semaphore, #tpu.memory_space<semaphore_mem>>, %arg12: memref<4x!tpu.dma_semaphore, #tpu.memory_space<semaphore_mem>>) attributes {dimension_semantics = [#tpu.dimension_semantics<core_parallel>, #tpu.dimension_semantics<subcore_parallel>], iteration_bounds = array<i64: 2, 16>, scalar_prefetch = 0 : i64, scratch_operands = 7 : i64, tpu.core_type = #tpu.core_type<sc_vector_subcore>, window_params = [{transform_indices = #map}, {transform_indices = #map1}, {transform_indices = #map1}, {transform_indices = #map2}]} {
    %mul3A = arith.constant 16 : i32
    %mul3A_0 = arith.muli %arg0, %mul3A : i32
    %add3A = arith.addi %mul3A_0, %arg1 : i32
    %mul3A_1 = arith.constant 10000 : i32
    %mul3A_2 = arith.muli %add3A, %mul3A_1 : i32
    %add3A_3 = arith.constant 0 : i32
    %add3A_4 = arith.addi %mul3A_2, %add3A_3 : i32
    %dma_start3A = arith.constant 0 : i32
    %dma_start3A_5 = arith.constant 0 : i32
    %dma_start3A_6 = arith.constant 0 : i32
    %dma_start3A_7 = tpu.memref_slice %arg6[%dma_start3A, %dma_start3A_6] : memref<5x80xi32, #tpu.memory_space<vmem>> -> memref<1x80xi32, #tpu.memory_space<vmem>>
    %dma_start3A_8 = tpu.memref_squeeze %dma_start3A_7 : memref<1x80xi32, #tpu.memory_space<vmem>> -> memref<80xi32, #tpu.memory_space<vmem>>
    %dma_start3A_9 = tpu.memref_slice %arg2[%add3A_4] : memref<640000xi32, #tpu.memory_space<hbm>> -> memref<80xi32, #tpu.memory_space<hbm>>
    %dma_start3A_10 = tpu.memref_slice %arg10[%dma_start3A_5] : memref<5x!tpu.dma_semaphore, #tpu.memory_space<semaphore_mem>> -> memref<1x!tpu.dma_semaphore, #tpu.memory_space<semaphore_mem>>
    %dma_start3A_11 = tpu.memref_squeeze %dma_start3A_10 : memref<1x!tpu.dma_semaphore, #tpu.memory_space<semaphore_mem>> -> memref<!tpu.dma_semaphore, #tpu.memory_space<semaphore_mem>>
    %dma_start3A_12 = arith.constant 0 : i32
    %dma_start3A_13 = tpu.memref_slice %arg6[%dma_start3A, %dma_start3A_12] : memref<5x80xi32, #tpu.memory_space<vmem>> -> memref<1x80xi32, #tpu.memory_space<vmem>>
    %dma_start3A_14 = tpu.memref_squeeze %dma_start3A_13 : memref<1x80xi32, #tpu.memory_space<vmem>> -> memref<80xi32, #tpu.memory_space<vmem>>
    %dma_start3A_15 = tpu.memref_slice %arg2[%add3A_4] : memref<640000xi32, #tpu.memory_space<hbm>> -> memref<80xi32, #tpu.memory_space<hbm>>
    tpu.enqueue_dma source(%dma_start3A_15 : memref<80xi32, #tpu.memory_space<hbm>>) target(%dma_start3A_14 : memref<80xi32, #tpu.memory_space<vmem>>) target_semaphore(%dma_start3A_11 : memref<!tpu.dma_semaphore, #tpu.memory_space<semaphore_mem>>)
    %add3A_16 = arith.constant 320000 : i32
    %add3A_17 = arith.addi %add3A_16, %add3A_4 : i32
    %dma_start3A_18 = arith.constant 0 : i32
    %dma_start3A_19 = arith.constant 0 : i32
    %dma_start3A_20 = arith.constant 0 : i32
    %dma_start3A_21 = tpu.memref_slice %arg7[%dma_start3A_18, %dma_start3A_20] : memref<5x80xi32, #tpu.memory_space<vmem>> -> memref<1x80xi32, #tpu.memory_space<vmem>>
    %dma_start3A_22 = tpu.memref_squeeze %dma_start3A_21 : memref<1x80xi32, #tpu.memory_space<vmem>> -> memref<80xi32, #tpu.memory_space<vmem>>
    %dma_start3A_23 = tpu.memref_slice %arg2[%add3A_17] : memref<640000xi32, #tpu.memory_space<hbm>> -> memref<80xi32, #tpu.memory_space<hbm>>
    %dma_start3A_24 = tpu.memref_slice %arg11[%dma_start3A_19] : memref<5x!tpu.dma_semaphore, #tpu.memory_space<semaphore_mem>> -> memref<1x!tpu.dma_semaphore, #tpu.memory_space<semaphore_mem>>
    %dma_start3A_25 = tpu.memref_squeeze %dma_start3A_24 : memref<1x!tpu.dma_semaphore, #tpu.memory_space<semaphore_mem>> -> memref<!tpu.dma_semaphore, #tpu.memory_space<semaphore_mem>>
    %dma_start3A_26 = arith.constant 0 : i32
    %dma_start3A_27 = tpu.memref_slice %arg7[%dma_start3A_18, %dma_start3A_26] : memref<5x80xi32, #tpu.memory_space<vmem>> -> memref<1x80xi32, #tpu.memory_space<vmem>>
    %dma_start3A_28 = tpu.memref_squeeze %dma_start3A_27 : memref<1x80xi32, #tpu.memory_space<vmem>> -> memref<80xi32, #tpu.memory_space<vmem>>
    %dma_start3A_29 = tpu.memref_slice %arg2[%add3A_17] : memref<640000xi32, #tpu.memory_space<hbm>> -> memref<80xi32, #tpu.memory_space<hbm>>
    tpu.enqueue_dma source(%dma_start3A_29 : memref<80xi32, #tpu.memory_space<hbm>>) target(%dma_start3A_28 : memref<80xi32, #tpu.memory_space<vmem>>) target_semaphore(%dma_start3A_25 : memref<!tpu.dma_semaphore, #tpu.memory_space<semaphore_mem>>)
    %add3A_30 = arith.constant 80 : i32
    %add3A_31 = arith.addi %mul3A_2, %add3A_30 : i32
    %dma_start3A_32 = arith.constant 1 : i32
    %dma_start3A_33 = arith.constant 1 : i32
    %dma_start3A_34 = arith.constant 0 : i32
    %dma_start3A_35 = tpu.memref_slice %arg6[%dma_start3A_32, %dma_start3A_34] : memref<5x80xi32, #tpu.memory_space<vmem>> -> memref<1x80xi32, #tpu.memory_space<vmem>>
    %dma_start3A_36 = tpu.memref_squeeze %dma_start3A_35 : memref<1x80xi32, #tpu.memory_space<vmem>> -> memref<80xi32, #tpu.memory_space<vmem>>
    %dma_start3A_37 = tpu.memref_slice %arg2[%add3A_31] : memref<640000xi32, #tpu.memory_space<hbm>> -> memref<80xi32, #tpu.memory_space<hbm>>
    %dma_start3A_38 = tpu.memref_slice %arg10[%dma_start3A_33] : memref<5x!tpu.dma_semaphore, #tpu.memory_space<semaphore_mem>> -> memref<1x!tpu.dma_semaphore, #tpu.memory_space<semaphore_mem>>
    %dma_start3A_39 = tpu.memref_squeeze %dma_start3A_38 : memref<1x!tpu.dma_semaphore, #tpu.memory_space<semaphore_mem>> -> memref<!tpu.dma_semaphore, #tpu.memory_space<semaphore_mem>>
    %dma_start3A_40 = arith.constant 0 : i32
    %dma_start3A_41 = tpu.memref_slice %arg6[%dma_start3A_32, %dma_start3A_40] : memref<5x80xi32, #tpu.memory_space<vmem>> -> memref<1x80xi32, #tpu.memory_space<vmem>>
    %dma_start3A_42 = tpu.memref_squeeze %dma_start3A_41 : memref<1x80xi32, #tpu.memory_space<vmem>> -> memref<80xi32, #tpu.memory_space<vmem>>
    %dma_start3A_43 = tpu.memref_slice %arg2[%add3A_31] : memref<640000xi32, #tpu.memory_space<hbm>> -> memref<80xi32, #tpu.memory_space<hbm>>
    tpu.enqueue_dma source(%dma_start3A_43 : memref<80xi32, #tpu.memory_space<hbm>>) target(%dma_start3A_42 : memref<80xi32, #tpu.memory_space<vmem>>) target_semaphore(%dma_start3A_39 : memref<!tpu.dma_semaphore, #tpu.memory_space<semaphore_mem>>)
    %add3A_44 = arith.constant 320000 : i32
    %add3A_45 = arith.addi %add3A_44, %add3A_31 : i32
    %dma_start3A_46 = arith.constant 1 : i32
    %dma_start3A_47 = arith.constant 1 : i32
    %dma_start3A_48 = arith.constant 0 : i32
    %dma_start3A_49 = tpu.memref_slice %arg7[%dma_start3A_46, %dma_start3A_48] : memref<5x80xi32, #tpu.memory_space<vmem>> -> memref<1x80xi32, #tpu.memory_space<vmem>>
    %dma_start3A_50 = tpu.memref_squeeze %dma_start3A_49 : memref<1x80xi32, #tpu.memory_space<vmem>> -> memref<80xi32, #tpu.memory_space<vmem>>
    %dma_start3A_51 = tpu.memref_slice %arg2[%add3A_45] : memref<640000xi32, #tpu.memory_space<hbm>> -> memref<80xi32, #tpu.memory_space<hbm>>
    %dma_start3A_52 = tpu.memref_slice %arg11[%dma_start3A_47] : memref<5x!tpu.dma_semaphore, #tpu.memory_space<semaphore_mem>> -> memref<1x!tpu.dma_semaphore, #tpu.memory_space<semaphore_mem>>
    %dma_start3A_53 = tpu.memref_squeeze %dma_start3A_52 : memref<1x!tpu.dma_semaphore, #tpu.memory_space<semaphore_mem>> -> memref<!tpu.dma_semaphore, #tpu.memory_space<semaphore_mem>>
    %dma_start3A_54 = arith.constant 0 : i32
    %dma_start3A_55 = tpu.memref_slice %arg7[%dma_start3A_46, %dma_start3A_54] : memref<5x80xi32, #tpu.memory_space<vmem>> -> memref<1x80xi32, #tpu.memory_space<vmem>>
    %dma_start3A_56 = tpu.memref_squeeze %dma_start3A_55 : memref<1x80xi32, #tpu.memory_space<vmem>> -> memref<80xi32, #tpu.memory_space<vmem>>
    %dma_start3A_57 = tpu.memref_slice %arg2[%add3A_45] : memref<640000xi32, #tpu.memory_space<hbm>> -> memref<80xi32, #tpu.memory_space<hbm>>
    tpu.enqueue_dma source(%dma_start3A_57 : memref<80xi32, #tpu.memory_space<hbm>>) target(%dma_start3A_56 : memref<80xi32, #tpu.memory_space<vmem>>) target_semaphore(%dma_start3A_53 : memref<!tpu.dma_semaphore, #tpu.memory_space<semaphore_mem>>)
    %add3A_58 = arith.constant 160 : i32
    %add3A_59 = arith.addi %mul3A_2, %add3A_58 : i32
    %dma_start3A_60 = arith.constant 2 : i32
    %dma_start3A_61 = arith.constant 2 : i32
    %dma_start3A_62 = arith.constant 0 : i32
    %dma_start3A_63 = tpu.memref_slice %arg6[%dma_start3A_60, %dma_start3A_62] : memref<5x80xi32, #tpu.memory_space<vmem>> -> memref<1x80xi32, #tpu.memory_space<vmem>>
    %dma_start3A_64 = tpu.memref_squeeze %dma_start3A_63 : memref<1x80xi32, #tpu.memory_space<vmem>> -> memref<80xi32, #tpu.memory_space<vmem>>
    %dma_start3A_65 = tpu.memref_slice %arg2[%add3A_59] : memref<640000xi32, #tpu.memory_space<hbm>> -> memref<80xi32, #tpu.memory_space<hbm>>
    %dma_start3A_66 = tpu.memref_slice %arg10[%dma_start3A_61] : memref<5x!tpu.dma_semaphore, #tpu.memory_space<semaphore_mem>> -> memref<1x!tpu.dma_semaphore, #tpu.memory_space<semaphore_mem>>
    %dma_start3A_67 = tpu.memref_squeeze %dma_start3A_66 : memref<1x!tpu.dma_semaphore, #tpu.memory_space<semaphore_mem>> -> memref<!tpu.dma_semaphore, #tpu.memory_space<semaphore_mem>>
    %dma_start3A_68 = arith.constant 0 : i32
    %dma_start3A_69 = tpu.memref_slice %arg6[%dma_start3A_60, %dma_start3A_68] : memref<5x80xi32, #tpu.memory_space<vmem>> -> memref<1x80xi32, #tpu.memory_space<vmem>>
    %dma_start3A_70 = tpu.memref_squeeze %dma_start3A_69 : memref<1x80xi32, #tpu.memory_space<vmem>> -> memref<80xi32, #tpu.memory_space<vmem>>
    %dma_start3A_71 = tpu.memref_slice %arg2[%add3A_59] : memref<640000xi32, #tpu.memory_space<hbm>> -> memref<80xi32, #tpu.memory_space<hbm>>
    tpu.enqueue_dma source(%dma_start3A_71 : memref<80xi32, #tpu.memory_space<hbm>>) target(%dma_start3A_70 : memref<80xi32, #tpu.memory_space<vmem>>) target_semaphore(%dma_start3A_67 : memref<!tpu.dma_semaphore, #tpu.memory_space<semaphore_mem>>)
    %add3A_72 = arith.constant 320000 : i32
    %add3A_73 = arith.addi %add3A_72, %add3A_59 : i32
    %dma_start3A_74 = arith.constant 2 : i32
    %dma_start3A_75 = arith.constant 2 : i32
    %dma_start3A_76 = arith.constant 0 : i32
    %dma_start3A_77 = tpu.memref_slice %arg7[%dma_start3A_74, %dma_start3A_76] : memref<5x80xi32, #tpu.memory_space<vmem>> -> memref<1x80xi32, #tpu.memory_space<vmem>>
    %dma_start3A_78 = tpu.memref_squeeze %dma_start3A_77 : memref<1x80xi32, #tpu.memory_space<vmem>> -> memref<80xi32, #tpu.memory_space<vmem>>
    %dma_start3A_79 = tpu.memref_slice %arg2[%add3A_73] : memref<640000xi32, #tpu.memory_space<hbm>> -> memref<80xi32, #tpu.memory_space<hbm>>
    %dma_start3A_80 = tpu.memref_slice %arg11[%dma_start3A_75] : memref<5x!tpu.dma_semaphore, #tpu.memory_space<semaphore_mem>> -> memref<1x!tpu.dma_semaphore, #tpu.memory_space<semaphore_mem>>
    %dma_start3A_81 = tpu.memref_squeeze %dma_start3A_80 : memref<1x!tpu.dma_semaphore, #tpu.memory_space<semaphore_mem>> -> memref<!tpu.dma_semaphore, #tpu.memory_space<semaphore_mem>>
    %dma_start3A_82 = arith.constant 0 : i32
    %dma_start3A_83 = tpu.memref_slice %arg7[%dma_start3A_74, %dma_start3A_82] : memref<5x80xi32, #tpu.memory_space<vmem>> -> memref<1x80xi32, #tpu.memory_space<vmem>>
    %dma_start3A_84 = tpu.memref_squeeze %dma_start3A_83 : memref<1x80xi32, #tpu.memory_space<vmem>> -> memref<80xi32, #tpu.memory_space<vmem>>
    %dma_start3A_85 = tpu.memref_slice %arg2[%add3A_73] : memref<640000xi32, #tpu.memory_space<hbm>> -> memref<80xi32, #tpu.memory_space<hbm>>
    tpu.enqueue_dma source(%dma_start3A_85 : memref<80xi32, #tpu.memory_space<hbm>>) target(%dma_start3A_84 : memref<80xi32, #tpu.memory_space<vmem>>) target_semaphore(%dma_start3A_81 : memref<!tpu.dma_semaphore, #tpu.memory_space<semaphore_mem>>)
    %add3A_86 = arith.constant 240 : i32
    %add3A_87 = arith.addi %mul3A_2, %add3A_86 : i32
    %dma_start3A_88 = arith.constant 3 : i32
    %dma_start3A_89 = arith.constant 3 : i32
    %dma_start3A_90 = arith.constant 0 : i32
    %dma_start3A_91 = tpu.memref_slice %arg6[%dma_start3A_88, %dma_start3A_90] : memref<5x80xi32, #tpu.memory_space<vmem>> -> memref<1x80xi32, #tpu.memory_space<vmem>>
    %dma_start3A_92 = tpu.memref_squeeze %dma_start3A_91 : memref<1x80xi32, #tpu.memory_space<vmem>> -> memref<80xi32, #tpu.memory_space<vmem>>
    %dma_start3A_93 = tpu.memref_slice %arg2[%add3A_87] : memref<640000xi32, #tpu.memory_space<hbm>> -> memref<80xi32, #tpu.memory_space<hbm>>
    %dma_start3A_94 = tpu.memref_slice %arg10[%dma_start3A_89] : memref<5x!tpu.dma_semaphore, #tpu.memory_space<semaphore_mem>> -> memref<1x!tpu.dma_semaphore, #tpu.memory_space<semaphore_mem>>
    %dma_start3A_95 = tpu.memref_squeeze %dma_start3A_94 : memref<1x!tpu.dma_semaphore, #tpu.memory_space<semaphore_mem>> -> memref<!tpu.dma_semaphore, #tpu.memory_space<semaphore_mem>>
    %dma_start3A_96 = arith.constant 0 : i32
    %dma_start3A_97 = tpu.memref_slice %arg6[%dma_start3A_88, %dma_start3A_96] : memref<5x80xi32, #tpu.memory_space<vmem>> -> memref<1x80xi32, #tpu.memory_space<vmem>>
    %dma_start3A_98 = tpu.memref_squeeze %dma_start3A_97 : memref<1x80xi32, #tpu.memory_space<vmem>> -> memref<80xi32, #tpu.memory_space<vmem>>
    %dma_start3A_99 = tpu.memref_slice %arg2[%add3A_87] : memref<640000xi32, #tpu.memory_space<hbm>> -> memref<80xi32, #tpu.memory_space<hbm>>
    tpu.enqueue_dma source(%dma_start3A_99 : memref<80xi32, #tpu.memory_space<hbm>>) target(%dma_start3A_98 : memref<80xi32, #tpu.memory_space<vmem>>) target_semaphore(%dma_start3A_95 : memref<!tpu.dma_semaphore, #tpu.memory_space<semaphore_mem>>)
    %add3A_100 = arith.constant 320000 : i32
    %add3A_101 = arith.addi %add3A_100, %add3A_87 : i32
    %dma_start3A_102 = arith.constant 3 : i32
    %dma_start3A_103 = arith.constant 3 : i32
    %dma_start3A_104 = arith.constant 0 : i32
    %dma_start3A_105 = tpu.memref_slice %arg7[%dma_start3A_102, %dma_start3A_104] : memref<5x80xi32, #tpu.memory_space<vmem>> -> memref<1x80xi32, #tpu.memory_space<vmem>>
    %dma_start3A_106 = tpu.memref_squeeze %dma_start3A_105 : memref<1x80xi32, #tpu.memory_space<vmem>> -> memref<80xi32, #tpu.memory_space<vmem>>
    %dma_start3A_107 = tpu.memref_slice %arg2[%add3A_101] : memref<640000xi32, #tpu.memory_space<hbm>> -> memref<80xi32, #tpu.memory_space<hbm>>
    %dma_start3A_108 = tpu.memref_slice %arg11[%dma_start3A_103] : memref<5x!tpu.dma_semaphore, #tpu.memory_space<semaphore_mem>> -> memref<1x!tpu.dma_semaphore, #tpu.memory_space<semaphore_mem>>
    %dma_start3A_109 = tpu.memref_squeeze %dma_start3A_108 : memref<1x!tpu.dma_semaphore, #tpu.memory_space<semaphore_mem>> -> memref<!tpu.dma_semaphore, #tpu.memory_space<semaphore_mem>>
    %dma_start3A_110 = arith.constant 0 : i32
    %dma_start3A_111 = tpu.memref_slice %arg7[%dma_start3A_102, %dma_start3A_110] : memref<5x80xi32, #tpu.memory_space<vmem>> -> memref<1x80xi32, #tpu.memory_space<vmem>>
    %dma_start3A_112 = tpu.memref_squeeze %dma_start3A_111 : memref<1x80xi32, #tpu.memory_space<vmem>> -> memref<80xi32, #tpu.memory_space<vmem>>
    %dma_start3A_113 = tpu.memref_slice %arg2[%add3A_101] : memref<640000xi32, #tpu.memory_space<hbm>> -> memref<80xi32, #tpu.memory_space<hbm>>
    tpu.enqueue_dma source(%dma_start3A_113 : memref<80xi32, #tpu.memory_space<hbm>>) target(%dma_start3A_112 : memref<80xi32, #tpu.memory_space<vmem>>) target_semaphore(%dma_start3A_109 : memref<!tpu.dma_semaphore, #tpu.memory_space<semaphore_mem>>)
    %add3A_114 = arith.constant 0 : i32
    %add3A_115 = arith.addi %mul3A_2, %add3A_114 : i32
    %dma_wait3A = arith.constant 0 : i32
    %dma_wait3A_116 = arith.constant 0 : i32
    %dma_wait3A_117 = arith.constant 0 : i32
    %dma_wait3A_118 = tpu.memref_slice %arg6[%dma_wait3A, %dma_wait3A_117] : memref<5x80xi32, #tpu.memory_space<vmem>> -> memref<1x80xi32, #tpu.memory_space<vmem>>
    %dma_wait3A_119 = tpu.memref_squeeze %dma_wait3A_118 : memref<1x80xi32, #tpu.memory_space<vmem>> -> memref<80xi32, #tpu.memory_space<vmem>>
    %dma_wait3A_120 = tpu.memref_slice %arg2[%add3A_115] : memref<640000xi32, #tpu.memory_space<hbm>> -> memref<80xi32, #tpu.memory_space<hbm>>
    %dma_wait3A_121 = tpu.memref_slice %arg10[%dma_wait3A_116] : memref<5x!tpu.dma_semaphore, #tpu.memory_space<semaphore_mem>> -> memref<1x!tpu.dma_semaphore, #tpu.memory_space<semaphore_mem>>
    %dma_wait3A_122 = tpu.memref_squeeze %dma_wait3A_121 : memref<1x!tpu.dma_semaphore, #tpu.memory_space<semaphore_mem>> -> memref<!tpu.dma_semaphore, #tpu.memory_space<semaphore_mem>>
    %dma_wait3A_123 = arith.constant 0 : i32
    %dma_wait3A_124 = tpu.memref_slice %arg6[%dma_wait3A, %dma_wait3A_123] : memref<5x80xi32, #tpu.memory_space<vmem>> -> memref<1x80xi32, #tpu.memory_space<vmem>>
    %dma_wait3A_125 = tpu.memref_squeeze %dma_wait3A_124 : memref<1x80xi32, #tpu.memory_space<vmem>> -> memref<80xi32, #tpu.memory_space<vmem>>
    %dma_wait3A_126 = tpu.memref_slice %arg2[%add3A_115] : memref<640000xi32, #tpu.memory_space<hbm>> -> memref<80xi32, #tpu.memory_space<hbm>>
    tpu.wait_dma2 semaphore(%dma_wait3A_122 : memref<!tpu.dma_semaphore, #tpu.memory_space<semaphore_mem>>) src(%dma_wait3A_126 : memref<80xi32, #tpu.memory_space<hbm>>) dst(%dma_wait3A_125 : memref<80xi32, #tpu.memory_space<vmem>>)
    %add3A_127 = arith.constant 320000 : i32
    %add3A_128 = arith.addi %add3A_127, %add3A_115 : i32
    %dma_wait3A_129 = arith.constant 0 : i32
    %dma_wait3A_130 = arith.constant 0 : i32
    %dma_wait3A_131 = arith.constant 0 : i32
    %dma_wait3A_132 = tpu.memref_slice %arg7[%dma_wait3A_129, %dma_wait3A_131] : memref<5x80xi32, #tpu.memory_space<vmem>> -> memref<1x80xi32, #tpu.memory_space<vmem>>
    %dma_wait3A_133 = tpu.memref_squeeze %dma_wait3A_132 : memref<1x80xi32, #tpu.memory_space<vmem>> -> memref<80xi32, #tpu.memory_space<vmem>>
    %dma_wait3A_134 = tpu.memref_slice %arg2[%add3A_128] : memref<640000xi32, #tpu.memory_space<hbm>> -> memref<80xi32, #tpu.memory_space<hbm>>
    %dma_wait3A_135 = tpu.memref_slice %arg11[%dma_wait3A_130] : memref<5x!tpu.dma_semaphore, #tpu.memory_space<semaphore_mem>> -> memref<1x!tpu.dma_semaphore, #tpu.memory_space<semaphore_mem>>
    %dma_wait3A_136 = tpu.memref_squeeze %dma_wait3A_135 : memref<1x!tpu.dma_semaphore, #tpu.memory_space<semaphore_mem>> -> memref<!tpu.dma_semaphore, #tpu.memory_space<semaphore_mem>>
    %dma_wait3A_137 = arith.constant 0 : i32
    %dma_wait3A_138 = tpu.memref_slice %arg7[%dma_wait3A_129, %dma_wait3A_137] : memref<5x80xi32, #tpu.memory_space<vmem>> -> memref<1x80xi32, #tpu.memory_space<vmem>>
    %dma_wait3A_139 = tpu.memref_squeeze %dma_wait3A_138 : memref<1x80xi32, #tpu.memory_space<vmem>> -> memref<80xi32, #tpu.memory_space<vmem>>
    %dma_wait3A_140 = tpu.memref_slice %arg2[%add3A_128] : memref<640000xi32, #tpu.memory_space<hbm>> -> memref<80xi32, #tpu.memory_space<hbm>>
    tpu.wait_dma2 semaphore(%dma_wait3A_136 : memref<!tpu.dma_semaphore, #tpu.memory_space<semaphore_mem>>) src(%dma_wait3A_140 : memref<80xi32, #tpu.memory_space<hbm>>) dst(%dma_wait3A_139 : memref<80xi32, #tpu.memory_space<vmem>>)
    %dma_start3A_141 = arith.constant 0 : i32
    %dma_start3A_142 = arith.constant 0 : i32
    %dma_start3A_143 = arith.constant 0 : i32
    %dma_start3A_144 = arith.constant 0 : i32
    %dma_start3A_145 = arith.constant 0 : i32
    %dma_start3A_146 = tpu.memref_slice %arg8[%dma_start3A_142, %dma_start3A_144, %dma_start3A_145] : memref<4x80x128xf32, #tpu.memory_space<vmem>> -> memref<1x80x128xf32, #tpu.memory_space<vmem>>
    %dma_start3A_147 = tpu.memref_squeeze %dma_start3A_146 : memref<1x80x128xf32, #tpu.memory_space<vmem>> -> memref<80x128xf32, #tpu.memory_space<vmem>>
    %dma_start3A_148 = arith.constant 0 : i32
    %dma_start3A_149 = tpu.memref_slice %arg7[%dma_start3A_141, %dma_start3A_148] : memref<5x80xi32, #tpu.memory_space<vmem>> -> memref<1x80xi32, #tpu.memory_space<vmem>>
    %dma_start3A_150 = tpu.memref_squeeze %dma_start3A_149 : memref<1x80xi32, #tpu.memory_space<vmem>> -> memref<80xi32, #tpu.memory_space<vmem>>
    %dma_start3A_151 = arith.constant 0 : i32
    %dma_start3A_152 = arith.constant 0 : i32
    %dma_start3A_153 = tpu.memref_slice %arg3[%dma_start3A_151, %dma_start3A_152] : memref<10000x128xf32, #tpu.memory_space<hbm>> -> memref<10000x128xf32, #tpu.memory_space<hbm>>
    %dma_start3A_154 = tpu.memref_slice %arg12[%dma_start3A_143] : memref<4x!tpu.dma_semaphore, #tpu.memory_space<semaphore_mem>> -> memref<1x!tpu.dma_semaphore, #tpu.memory_space<semaphore_mem>>
    %dma_start3A_155 = tpu.memref_squeeze %dma_start3A_154 : memref<1x!tpu.dma_semaphore, #tpu.memory_space<semaphore_mem>> -> memref<!tpu.dma_semaphore, #tpu.memory_space<semaphore_mem>>
    tpu.enqueue_indirect_dma source(%dma_start3A_153 : memref<10000x128xf32, #tpu.memory_space<hbm>>) target(%dma_start3A_147 : memref<80x128xf32, #tpu.memory_space<vmem>>) offsets(%dma_start3A_150 : memref<80xi32, #tpu.memory_space<vmem>>) semaphore(%dma_start3A_155 : memref<!tpu.dma_semaphore, #tpu.memory_space<semaphore_mem>>)
    %add3A_156 = arith.constant 80 : i32
    %add3A_157 = arith.addi %mul3A_2, %add3A_156 : i32
    %dma_wait3A_158 = arith.constant 1 : i32
    %dma_wait3A_159 = arith.constant 1 : i32
    %dma_wait3A_160 = arith.constant 0 : i32
    %dma_wait3A_161 = tpu.memref_slice %arg6[%dma_wait3A_158, %dma_wait3A_160] : memref<5x80xi32, #tpu.memory_space<vmem>> -> memref<1x80xi32, #tpu.memory_space<vmem>>
    %dma_wait3A_162 = tpu.memref_squeeze %dma_wait3A_161 : memref<1x80xi32, #tpu.memory_space<vmem>> -> memref<80xi32, #tpu.memory_space<vmem>>
    %dma_wait3A_163 = tpu.memref_slice %arg2[%add3A_157] : memref<640000xi32, #tpu.memory_space<hbm>> -> memref<80xi32, #tpu.memory_space<hbm>>
    %dma_wait3A_164 = tpu.memref_slice %arg10[%dma_wait3A_159] : memref<5x!tpu.dma_semaphore, #tpu.memory_space<semaphore_mem>> -> memref<1x!tpu.dma_semaphore, #tpu.memory_space<semaphore_mem>>
    %dma_wait3A_165 = tpu.memref_squeeze %dma_wait3A_164 : memref<1x!tpu.dma_semaphore, #tpu.memory_space<semaphore_mem>> -> memref<!tpu.dma_semaphore, #tpu.memory_space<semaphore_mem>>
    %dma_wait3A_166 = arith.constant 0 : i32
    %dma_wait3A_167 = tpu.memref_slice %arg6[%dma_wait3A_158, %dma_wait3A_166] : memref<5x80xi32, #tpu.memory_space<vmem>> -> memref<1x80xi32, #tpu.memory_space<vmem>>
    %dma_wait3A_168 = tpu.memref_squeeze %dma_wait3A_167 : memref<1x80xi32, #tpu.memory_space<vmem>> -> memref<80xi32, #tpu.memory_space<vmem>>
    %dma_wait3A_169 = tpu.memref_slice %arg2[%add3A_157] : memref<640000xi32, #tpu.memory_space<hbm>> -> memref<80xi32, #tpu.memory_space<hbm>>
    tpu.wait_dma2 semaphore(%dma_wait3A_165 : memref<!tpu.dma_semaphore, #tpu.memory_space<semaphore_mem>>) src(%dma_wait3A_169 : memref<80xi32, #tpu.memory_space<hbm>>) dst(%dma_wait3A_168 : memref<80xi32, #tpu.memory_space<vmem>>)
    %add3A_170 = arith.constant 320000 : i32
    %add3A_171 = arith.addi %add3A_170, %add3A_157 : i32
    %dma_wait3A_172 = arith.constant 1 : i32
    %dma_wait3A_173 = arith.constant 1 : i32
    %dma_wait3A_174 = arith.constant 0 : i32
    %dma_wait3A_175 = tpu.memref_slice %arg7[%dma_wait3A_172, %dma_wait3A_174] : memref<5x80xi32, #tpu.memory_space<vmem>> -> memref<1x80xi32, #tpu.memory_space<vmem>>
    %dma_wait3A_176 = tpu.memref_squeeze %dma_wait3A_175 : memref<1x80xi32, #tpu.memory_space<vmem>> -> memref<80xi32, #tpu.memory_space<vmem>>
    %dma_wait3A_177 = tpu.memref_slice %arg2[%add3A_171] : memref<640000xi32, #tpu.memory_space<hbm>> -> memref<80xi32, #tpu.memory_space<hbm>>
    %dma_wait3A_178 = tpu.memref_slice %arg11[%dma_wait3A_173] : memref<5x!tpu.dma_semaphore, #tpu.memory_space<semaphore_mem>> -> memref<1x!tpu.dma_semaphore, #tpu.memory_space<semaphore_mem>>
    %dma_wait3A_179 = tpu.memref_squeeze %dma_wait3A_178 : memref<1x!tpu.dma_semaphore, #tpu.memory_space<semaphore_mem>> -> memref<!tpu.dma_semaphore, #tpu.memory_space<semaphore_mem>>
    %dma_wait3A_180 = arith.constant 0 : i32
    %dma_wait3A_181 = tpu.memref_slice %arg7[%dma_wait3A_172, %dma_wait3A_180] : memref<5x80xi32, #tpu.memory_space<vmem>> -> memref<1x80xi32, #tpu.memory_space<vmem>>
    %dma_wait3A_182 = tpu.memref_squeeze %dma_wait3A_181 : memref<1x80xi32, #tpu.memory_space<vmem>> -> memref<80xi32, #tpu.memory_space<vmem>>
    %dma_wait3A_183 = tpu.memref_slice %arg2[%add3A_171] : memref<640000xi32, #tpu.memory_space<hbm>> -> memref<80xi32, #tpu.memory_space<hbm>>
    tpu.wait_dma2 semaphore(%dma_wait3A_179 : memref<!tpu.dma_semaphore, #tpu.memory_space<semaphore_mem>>) src(%dma_wait3A_183 : memref<80xi32, #tpu.memory_space<hbm>>) dst(%dma_wait3A_182 : memref<80xi32, #tpu.memory_space<vmem>>)
    %dma_start3A_184 = arith.constant 1 : i32
    %dma_start3A_185 = arith.constant 1 : i32
    %dma_start3A_186 = arith.constant 1 : i32
    %dma_start3A_187 = arith.constant 0 : i32
    %dma_start3A_188 = arith.constant 0 : i32
    %dma_start3A_189 = tpu.memref_slice %arg8[%dma_start3A_185, %dma_start3A_187, %dma_start3A_188] : memref<4x80x128xf32, #tpu.memory_space<vmem>> -> memref<1x80x128xf32, #tpu.memory_space<vmem>>
    %dma_start3A_190 = tpu.memref_squeeze %dma_start3A_189 : memref<1x80x128xf32, #tpu.memory_space<vmem>> -> memref<80x128xf32, #tpu.memory_space<vmem>>
    %dma_start3A_191 = arith.constant 0 : i32
    %dma_start3A_192 = tpu.memref_slice %arg7[%dma_start3A_184, %dma_start3A_191] : memref<5x80xi32, #tpu.memory_space<vmem>> -> memref<1x80xi32, #tpu.memory_space<vmem>>
    %dma_start3A_193 = tpu.memref_squeeze %dma_start3A_192 : memref<1x80xi32, #tpu.memory_space<vmem>> -> memref<80xi32, #tpu.memory_space<vmem>>
    %dma_start3A_194 = arith.constant 0 : i32
    %dma_start3A_195 = arith.constant 0 : i32
    %dma_start3A_196 = tpu.memref_slice %arg3[%dma_start3A_194, %dma_start3A_195] : memref<10000x128xf32, #tpu.memory_space<hbm>> -> memref<10000x128xf32, #tpu.memory_space<hbm>>
    %dma_start3A_197 = tpu.memref_slice %arg12[%dma_start3A_186] : memref<4x!tpu.dma_semaphore, #tpu.memory_space<semaphore_mem>> -> memref<1x!tpu.dma_semaphore, #tpu.memory_space<semaphore_mem>>
    %dma_start3A_198 = tpu.memref_squeeze %dma_start3A_197 : memref<1x!tpu.dma_semaphore, #tpu.memory_space<semaphore_mem>> -> memref<!tpu.dma_semaphore, #tpu.memory_space<semaphore_mem>>
    tpu.enqueue_indirect_dma source(%dma_start3A_196 : memref<10000x128xf32, #tpu.memory_space<hbm>>) target(%dma_start3A_190 : memref<80x128xf32, #tpu.memory_space<vmem>>) offsets(%dma_start3A_193 : memref<80xi32, #tpu.memory_space<vmem>>) semaphore(%dma_start3A_198 : memref<!tpu.dma_semaphore, #tpu.memory_space<semaphore_mem>>)
    %add3A_199 = arith.constant 160 : i32
    %add3A_200 = arith.addi %mul3A_2, %add3A_199 : i32
    %dma_wait3A_201 = arith.constant 2 : i32
    %dma_wait3A_202 = arith.constant 2 : i32
    %dma_wait3A_203 = arith.constant 0 : i32
    %dma_wait3A_204 = tpu.memref_slice %arg6[%dma_wait3A_201, %dma_wait3A_203] : memref<5x80xi32, #tpu.memory_space<vmem>> -> memref<1x80xi32, #tpu.memory_space<vmem>>
    %dma_wait3A_205 = tpu.memref_squeeze %dma_wait3A_204 : memref<1x80xi32, #tpu.memory_space<vmem>> -> memref<80xi32, #tpu.memory_space<vmem>>
    %dma_wait3A_206 = tpu.memref_slice %arg2[%add3A_200] : memref<640000xi32, #tpu.memory_space<hbm>> -> memref<80xi32, #tpu.memory_space<hbm>>
    %dma_wait3A_207 = tpu.memref_slice %arg10[%dma_wait3A_202] : memref<5x!tpu.dma_semaphore, #tpu.memory_space<semaphore_mem>> -> memref<1x!tpu.dma_semaphore, #tpu.memory_space<semaphore_mem>>
    %dma_wait3A_208 = tpu.memref_squeeze %dma_wait3A_207 : memref<1x!tpu.dma_semaphore, #tpu.memory_space<semaphore_mem>> -> memref<!tpu.dma_semaphore, #tpu.memory_space<semaphore_mem>>
    %dma_wait3A_209 = arith.constant 0 : i32
    %dma_wait3A_210 = tpu.memref_slice %arg6[%dma_wait3A_201, %dma_wait3A_209] : memref<5x80xi32, #tpu.memory_space<vmem>> -> memref<1x80xi32, #tpu.memory_space<vmem>>
    %dma_wait3A_211 = tpu.memref_squeeze %dma_wait3A_210 : memref<1x80xi32, #tpu.memory_space<vmem>> -> memref<80xi32, #tpu.memory_space<vmem>>
    %dma_wait3A_212 = tpu.memref_slice %arg2[%add3A_200] : memref<640000xi32, #tpu.memory_space<hbm>> -> memref<80xi32, #tpu.memory_space<hbm>>
    tpu.wait_dma2 semaphore(%dma_wait3A_208 : memref<!tpu.dma_semaphore, #tpu.memory_space<semaphore_mem>>) src(%dma_wait3A_212 : memref<80xi32, #tpu.memory_space<hbm>>) dst(%dma_wait3A_211 : memref<80xi32, #tpu.memory_space<vmem>>)
    %add3A_213 = arith.constant 320000 : i32
    %add3A_214 = arith.addi %add3A_213, %add3A_200 : i32
    %dma_wait3A_215 = arith.constant 2 : i32
    %dma_wait3A_216 = arith.constant 2 : i32
    %dma_wait3A_217 = arith.constant 0 : i32
    %dma_wait3A_218 = tpu.memref_slice %arg7[%dma_wait3A_215, %dma_wait3A_217] : memref<5x80xi32, #tpu.memory_space<vmem>> -> memref<1x80xi32, #tpu.memory_space<vmem>>
    %dma_wait3A_219 = tpu.memref_squeeze %dma_wait3A_218 : memref<1x80xi32, #tpu.memory_space<vmem>> -> memref<80xi32, #tpu.memory_space<vmem>>
    %dma_wait3A_220 = tpu.memref_slice %arg2[%add3A_214] : memref<640000xi32, #tpu.memory_space<hbm>> -> memref<80xi32, #tpu.memory_space<hbm>>
    %dma_wait3A_221 = tpu.memref_slice %arg11[%dma_wait3A_216] : memref<5x!tpu.dma_semaphore, #tpu.memory_space<semaphore_mem>> -> memref<1x!tpu.dma_semaphore, #tpu.memory_space<semaphore_mem>>
    %dma_wait3A_222 = tpu.memref_squeeze %dma_wait3A_221 : memref<1x!tpu.dma_semaphore, #tpu.memory_space<semaphore_mem>> -> memref<!tpu.dma_semaphore, #tpu.memory_space<semaphore_mem>>
    %dma_wait3A_223 = arith.constant 0 : i32
    %dma_wait3A_224 = tpu.memref_slice %arg7[%dma_wait3A_215, %dma_wait3A_223] : memref<5x80xi32, #tpu.memory_space<vmem>> -> memref<1x80xi32, #tpu.memory_space<vmem>>
    %dma_wait3A_225 = tpu.memref_squeeze %dma_wait3A_224 : memref<1x80xi32, #tpu.memory_space<vmem>> -> memref<80xi32, #tpu.memory_space<vmem>>
    %dma_wait3A_226 = tpu.memref_slice %arg2[%add3A_214] : memref<640000xi32, #tpu.memory_space<hbm>> -> memref<80xi32, #tpu.memory_space<hbm>>
    tpu.wait_dma2 semaphore(%dma_wait3A_222 : memref<!tpu.dma_semaphore, #tpu.memory_space<semaphore_mem>>) src(%dma_wait3A_226 : memref<80xi32, #tpu.memory_space<hbm>>) dst(%dma_wait3A_225 : memref<80xi32, #tpu.memory_space<vmem>>)
    %dma_start3A_227 = arith.constant 2 : i32
    %dma_start3A_228 = arith.constant 2 : i32
    %dma_start3A_229 = arith.constant 2 : i32
    %dma_start3A_230 = arith.constant 0 : i32
    %dma_start3A_231 = arith.constant 0 : i32
    %dma_start3A_232 = tpu.memref_slice %arg8[%dma_start3A_228, %dma_start3A_230, %dma_start3A_231] : memref<4x80x128xf32, #tpu.memory_space<vmem>> -> memref<1x80x128xf32, #tpu.memory_space<vmem>>
    %dma_start3A_233 = tpu.memref_squeeze %dma_start3A_232 : memref<1x80x128xf32, #tpu.memory_space<vmem>> -> memref<80x128xf32, #tpu.memory_space<vmem>>
    %dma_start3A_234 = arith.constant 0 : i32
    %dma_start3A_235 = tpu.memref_slice %arg7[%dma_start3A_227, %dma_start3A_234] : memref<5x80xi32, #tpu.memory_space<vmem>> -> memref<1x80xi32, #tpu.memory_space<vmem>>
    %dma_start3A_236 = tpu.memref_squeeze %dma_start3A_235 : memref<1x80xi32, #tpu.memory_space<vmem>> -> memref<80xi32, #tpu.memory_space<vmem>>
    %dma_start3A_237 = arith.constant 0 : i32
    %dma_start3A_238 = arith.constant 0 : i32
    %dma_start3A_239 = tpu.memref_slice %arg3[%dma_start3A_237, %dma_start3A_238] : memref<10000x128xf32, #tpu.memory_space<hbm>> -> memref<10000x128xf32, #tpu.memory_space<hbm>>
    %dma_start3A_240 = tpu.memref_slice %arg12[%dma_start3A_229] : memref<4x!tpu.dma_semaphore, #tpu.memory_space<semaphore_mem>> -> memref<1x!tpu.dma_semaphore, #tpu.memory_space<semaphore_mem>>
    %dma_start3A_241 = tpu.memref_squeeze %dma_start3A_240 : memref<1x!tpu.dma_semaphore, #tpu.memory_space<semaphore_mem>> -> memref<!tpu.dma_semaphore, #tpu.memory_space<semaphore_mem>>
    tpu.enqueue_indirect_dma source(%dma_start3A_239 : memref<10000x128xf32, #tpu.memory_space<hbm>>) target(%dma_start3A_233 : memref<80x128xf32, #tpu.memory_space<vmem>>) offsets(%dma_start3A_236 : memref<80xi32, #tpu.memory_space<vmem>>) semaphore(%dma_start3A_241 : memref<!tpu.dma_semaphore, #tpu.memory_space<semaphore_mem>>)
    %add3A_242 = arith.constant 240 : i32
    %add3A_243 = arith.addi %mul3A_2, %add3A_242 : i32
    %dma_wait3A_244 = arith.constant 3 : i32
    %dma_wait3A_245 = arith.constant 3 : i32
    %dma_wait3A_246 = arith.constant 0 : i32
    %dma_wait3A_247 = tpu.memref_slice %arg6[%dma_wait3A_244, %dma_wait3A_246] : memref<5x80xi32, #tpu.memory_space<vmem>> -> memref<1x80xi32, #tpu.memory_space<vmem>>
    %dma_wait3A_248 = tpu.memref_squeeze %dma_wait3A_247 : memref<1x80xi32, #tpu.memory_space<vmem>> -> memref<80xi32, #tpu.memory_space<vmem>>
    %dma_wait3A_249 = tpu.memref_slice %arg2[%add3A_243] : memref<640000xi32, #tpu.memory_space<hbm>> -> memref<80xi32, #tpu.memory_space<hbm>>
    %dma_wait3A_250 = tpu.memref_slice %arg10[%dma_wait3A_245] : memref<5x!tpu.dma_semaphore, #tpu.memory_space<semaphore_mem>> -> memref<1x!tpu.dma_semaphore, #tpu.memory_space<semaphore_mem>>
    %dma_wait3A_251 = tpu.memref_squeeze %dma_wait3A_250 : memref<1x!tpu.dma_semaphore, #tpu.memory_space<semaphore_mem>> -> memref<!tpu.dma_semaphore, #tpu.memory_space<semaphore_mem>>
    %dma_wait3A_252 = arith.constant 0 : i32
    %dma_wait3A_253 = tpu.memref_slice %arg6[%dma_wait3A_244, %dma_wait3A_252] : memref<5x80xi32, #tpu.memory_space<vmem>> -> memref<1x80xi32, #tpu.memory_space<vmem>>
    %dma_wait3A_254 = tpu.memref_squeeze %dma_wait3A_253 : memref<1x80xi32, #tpu.memory_space<vmem>> -> memref<80xi32, #tpu.memory_space<vmem>>
    %dma_wait3A_255 = tpu.memref_slice %arg2[%add3A_243] : memref<640000xi32, #tpu.memory_space<hbm>> -> memref<80xi32, #tpu.memory_space<hbm>>
    tpu.wait_dma2 semaphore(%dma_wait3A_251 : memref<!tpu.dma_semaphore, #tpu.memory_space<semaphore_mem>>) src(%dma_wait3A_255 : memref<80xi32, #tpu.memory_space<hbm>>) dst(%dma_wait3A_254 : memref<80xi32, #tpu.memory_space<vmem>>)
    %add3A_256 = arith.constant 320000 : i32
    %add3A_257 = arith.addi %add3A_256, %add3A_243 : i32
    %dma_wait3A_258 = arith.constant 3 : i32
    %dma_wait3A_259 = arith.constant 3 : i32
    %dma_wait3A_260 = arith.constant 0 : i32
    %dma_wait3A_261 = tpu.memref_slice %arg7[%dma_wait3A_258, %dma_wait3A_260] : memref<5x80xi32, #tpu.memory_space<vmem>> -> memref<1x80xi32, #tpu.memory_space<vmem>>
    %dma_wait3A_262 = tpu.memref_squeeze %dma_wait3A_261 : memref<1x80xi32, #tpu.memory_space<vmem>> -> memref<80xi32, #tpu.memory_space<vmem>>
    %dma_wait3A_263 = tpu.memref_slice %arg2[%add3A_257] : memref<640000xi32, #tpu.memory_space<hbm>> -> memref<80xi32, #tpu.memory_space<hbm>>
    %dma_wait3A_264 = tpu.memref_slice %arg11[%dma_wait3A_259] : memref<5x!tpu.dma_semaphore, #tpu.memory_space<semaphore_mem>> -> memref<1x!tpu.dma_semaphore, #tpu.memory_space<semaphore_mem>>
    %dma_wait3A_265 = tpu.memref_squeeze %dma_wait3A_264 : memref<1x!tpu.dma_semaphore, #tpu.memory_space<semaphore_mem>> -> memref<!tpu.dma_semaphore, #tpu.memory_space<semaphore_mem>>
    %dma_wait3A_266 = arith.constant 0 : i32
    %dma_wait3A_267 = tpu.memref_slice %arg7[%dma_wait3A_258, %dma_wait3A_266] : memref<5x80xi32, #tpu.memory_space<vmem>> -> memref<1x80xi32, #tpu.memory_space<vmem>>
    %dma_wait3A_268 = tpu.memref_squeeze %dma_wait3A_267 : memref<1x80xi32, #tpu.memory_space<vmem>> -> memref<80xi32, #tpu.memory_space<vmem>>
    %dma_wait3A_269 = tpu.memref_slice %arg2[%add3A_257] : memref<640000xi32, #tpu.memory_space<hbm>> -> memref<80xi32, #tpu.memory_space<hbm>>
    tpu.wait_dma2 semaphore(%dma_wait3A_265 : memref<!tpu.dma_semaphore, #tpu.memory_space<semaphore_mem>>) src(%dma_wait3A_269 : memref<80xi32, #tpu.memory_space<hbm>>) dst(%dma_wait3A_268 : memref<80xi32, #tpu.memory_space<vmem>>)
    %dma_start3A_270 = arith.constant 3 : i32
    %dma_start3A_271 = arith.constant 3 : i32
    %dma_start3A_272 = arith.constant 3 : i32
    %dma_start3A_273 = arith.constant 0 : i32
    %dma_start3A_274 = arith.constant 0 : i32
    %dma_start3A_275 = tpu.memref_slice %arg8[%dma_start3A_271, %dma_start3A_273, %dma_start3A_274] : memref<4x80x128xf32, #tpu.memory_space<vmem>> -> memref<1x80x128xf32, #tpu.memory_space<vmem>>
    %dma_start3A_276 = tpu.memref_squeeze %dma_start3A_275 : memref<1x80x128xf32, #tpu.memory_space<vmem>> -> memref<80x128xf32, #tpu.memory_space<vmem>>
    %dma_start3A_277 = arith.constant 0 : i32
    %dma_start3A_278 = tpu.memref_slice %arg7[%dma_start3A_270, %dma_start3A_277] : memref<5x80xi32, #tpu.memory_space<vmem>> -> memref<1x80xi32, #tpu.memory_space<vmem>>
    %dma_start3A_279 = tpu.memref_squeeze %dma_start3A_278 : memref<1x80xi32, #tpu.memory_space<vmem>> -> memref<80xi32, #tpu.memory_space<vmem>>
    %dma_start3A_280 = arith.constant 0 : i32
    %dma_start3A_281 = arith.constant 0 : i32
    %dma_start3A_282 = tpu.memref_slice %arg3[%dma_start3A_280, %dma_start3A_281] : memref<10000x128xf32, #tpu.memory_space<hbm>> -> memref<10000x128xf32, #tpu.memory_space<hbm>>
    %dma_start3A_283 = tpu.memref_slice %arg12[%dma_start3A_272] : memref<4x!tpu.dma_semaphore, #tpu.memory_space<semaphore_mem>> -> memref<1x!tpu.dma_semaphore, #tpu.memory_space<semaphore_mem>>
    %dma_start3A_284 = tpu.memref_squeeze %dma_start3A_283 : memref<1x!tpu.dma_semaphore, #tpu.memory_space<semaphore_mem>> -> memref<!tpu.dma_semaphore, #tpu.memory_space<semaphore_mem>>
    tpu.enqueue_indirect_dma source(%dma_start3A_282 : memref<10000x128xf32, #tpu.memory_space<hbm>>) target(%dma_start3A_276 : memref<80x128xf32, #tpu.memory_space<vmem>>) offsets(%dma_start3A_279 : memref<80xi32, #tpu.memory_space<vmem>>) semaphore(%dma_start3A_284 : memref<!tpu.dma_semaphore, #tpu.memory_space<semaphore_mem>>)
    %mul3A_285 = arith.constant 624 : i32
    %mul3A_286 = arith.muli %arg1, %mul3A_285 : i32
    %lt3A = arith.constant 15 : i32
    %lt3A_287 = arith.cmpi slt, %arg1, %lt3A : i32
    %convert_element_type3A = arith.extui %lt3A_287 : i1 to i32
    %cond3A = arith.constant 0 : i32
    %cond3A_288 = arith.cmpi ne, %convert_element_type3A, %cond3A : i32
    scf.if %cond3A_288 {
      "tpu.region"() ({
        %run_scoped3A = tpu.sem_alloc : memref<!tpu.dma_semaphore, #tpu.memory_space<semaphore_mem>>
        %dma_start3A_309 = arith.constant 0 : i32
        %dma_start3A_310 = tpu.memref_slice %arg9[%mul3A_286, %dma_start3A_309] : memref<10008x128xf32, #tpu.memory_space<vmem_shared>> -> memref<624x128xf32, #tpu.memory_space<vmem_shared>>
        %dma_start3A_311 = arith.constant 0 : i32
        %dma_start3A_312 = arith.constant 0 : i32
        %dma_start3A_313 = tpu.memref_slice %arg4[%dma_start3A_311, %dma_start3A_312] : memref<640x128xf32, #tpu.memory_space<hbm>> -> memref<624x128xf32, #tpu.memory_space<hbm>>
        tpu.enqueue_dma source(%dma_start3A_313 : memref<624x128xf32, #tpu.memory_space<hbm>>) target(%dma_start3A_310 : memref<624x128xf32, #tpu.memory_space<vmem_shared>>) target_semaphore(%run_scoped3A : memref<!tpu.dma_semaphore, #tpu.memory_space<semaphore_mem>>)
        %dma_wait3A_314 = arith.constant 0 : i32
        %dma_wait3A_315 = tpu.memref_slice %arg9[%mul3A_286, %dma_wait3A_314] : memref<10008x128xf32, #tpu.memory_space<vmem_shared>> -> memref<624x128xf32, #tpu.memory_space<vmem_shared>>
        %dma_wait3A_316 = arith.constant 0 : i32
        %dma_wait3A_317 = arith.constant 0 : i32
        %dma_wait3A_318 = tpu.memref_slice %arg4[%dma_wait3A_316, %dma_wait3A_317] : memref<640x128xf32, #tpu.memory_space<hbm>> -> memref<624x128xf32, #tpu.memory_space<hbm>>
        tpu.wait_dma2 semaphore(%run_scoped3A : memref<!tpu.dma_semaphore, #tpu.memory_space<semaphore_mem>>) src(%dma_wait3A_318 : memref<624x128xf32, #tpu.memory_space<hbm>>) dst(%dma_wait3A_315 : memref<624x128xf32, #tpu.memory_space<vmem_shared>>)
        tpu.yield
      }) : () -> ()
    } else {
    }
    %eq3A = arith.constant 15 : i32
    %eq3A_289 = arith.cmpi eq, %arg1, %eq3A : i32
    %convert_element_type3A_290 = arith.extui %eq3A_289 : i1 to i32
    %cond3A_291 = arith.constant 0 : i32
    %cond3A_292 = arith.cmpi ne, %convert_element_type3A_290, %cond3A_291 : i32
    scf.if %cond3A_292 {
      "tpu.region"() ({
        %run_scoped3A = tpu.sem_alloc : memref<!tpu.dma_semaphore, #tpu.memory_space<semaphore_mem>>
        %dma_start3A_309 = arith.constant 9360 : i32
        %dma_start3A_310 = arith.constant 0 : i32
        %dma_start3A_311 = tpu.memref_slice %arg9[%dma_start3A_309, %dma_start3A_310] : memref<10008x128xf32, #tpu.memory_space<vmem_shared>> -> memref<640x128xf32, #tpu.memory_space<vmem_shared>>
        tpu.enqueue_dma source(%arg4 : memref<640x128xf32, #tpu.memory_space<hbm>>) target(%dma_start3A_311 : memref<640x128xf32, #tpu.memory_space<vmem_shared>>) target_semaphore(%run_scoped3A : memref<!tpu.dma_semaphore, #tpu.memory_space<semaphore_mem>>)
        %dma_wait3A_312 = arith.constant 9360 : i32
        %dma_wait3A_313 = arith.constant 0 : i32
        %dma_wait3A_314 = tpu.memref_slice %arg9[%dma_wait3A_312, %dma_wait3A_313] : memref<10008x128xf32, #tpu.memory_space<vmem_shared>> -> memref<640x128xf32, #tpu.memory_space<vmem_shared>>
        tpu.wait_dma2 semaphore(%run_scoped3A : memref<!tpu.dma_semaphore, #tpu.memory_space<semaphore_mem>>) src(%arg4 : memref<640x128xf32, #tpu.memory_space<hbm>>) dst(%dma_wait3A_314 : memref<640x128xf32, #tpu.memory_space<vmem_shared>>)
        tpu.yield
      }) : () -> ()
    } else {
    }
    %barrier3A = arith.constant 0 : index
    tpu.barrier barrier_id(%barrier3A)
    %scan3A = arith.constant 0 : i32
    %scan3A_293 = arith.constant 0 : i32
    %scan3A_294 = arith.constant 125 : i32
    %scan3A_295 = arith.addi %scan3A_293, %scan3A_294 : i32
    %scan3A_296 = arith.constant 1 : i32
    scf.for %scan3A_309 = %scan3A_293 to %scan3A_295 step %scan3A_296  : i32 {
      %rem3A = arith.constant 4 : i32
      %rem3A_310 = arith.remsi %scan3A_309, %rem3A : i32
      %rem3A_311 = arith.constant 5 : i32
      %rem3A_312 = arith.remsi %scan3A_309, %rem3A_311 : i32
      %add3A_313 = arith.constant 4 : i32
      %add3A_314 = arith.addi %scan3A_309, %add3A_313 : i32
      %rem3A_315 = arith.constant 5 : i32
      %rem3A_316 = arith.remsi %add3A_314, %rem3A_315 : i32
      %lt3A_317 = arith.constant 125 : i32
      %lt3A_318 = arith.cmpi slt, %add3A_314, %lt3A_317 : i32
      %convert_element_type3A_319 = arith.extui %lt3A_318 : i1 to i32
      %cond3A_320 = arith.constant 0 : i32
      %cond3A_321 = arith.cmpi ne, %convert_element_type3A_319, %cond3A_320 : i32
      scf.if %cond3A_321 {
        %mul3A_337 = arith.constant 80 : i32
        %mul3A_338 = arith.muli %add3A_314, %mul3A_337 : i32
        %add3A_339 = arith.addi %mul3A_2, %mul3A_338 : i32
        %dma_start3A_340 = arith.constant 0 : i32
        %dma_start3A_341 = tpu.memref_slice %arg6[%rem3A_316, %dma_start3A_340] : memref<5x80xi32, #tpu.memory_space<vmem>> -> memref<1x80xi32, #tpu.memory_space<vmem>>
        %dma_start3A_342 = tpu.memref_squeeze %dma_start3A_341 : memref<1x80xi32, #tpu.memory_space<vmem>> -> memref<80xi32, #tpu.memory_space<vmem>>
        %dma_start3A_343 = tpu.memref_slice %arg2[%add3A_339] : memref<640000xi32, #tpu.memory_space<hbm>> -> memref<80xi32, #tpu.memory_space<hbm>>
        %dma_start3A_344 = tpu.memref_slice %arg10[%rem3A_316] : memref<5x!tpu.dma_semaphore, #tpu.memory_space<semaphore_mem>> -> memref<1x!tpu.dma_semaphore, #tpu.memory_space<semaphore_mem>>
        %dma_start3A_345 = tpu.memref_squeeze %dma_start3A_344 : memref<1x!tpu.dma_semaphore, #tpu.memory_space<semaphore_mem>> -> memref<!tpu.dma_semaphore, #tpu.memory_space<semaphore_mem>>
        %dma_start3A_346 = arith.constant 0 : i32
        %dma_start3A_347 = tpu.memref_slice %arg6[%rem3A_316, %dma_start3A_346] : memref<5x80xi32, #tpu.memory_space<vmem>> -> memref<1x80xi32, #tpu.memory_space<vmem>>
        %dma_start3A_348 = tpu.memref_squeeze %dma_start3A_347 : memref<1x80xi32, #tpu.memory_space<vmem>> -> memref<80xi32, #tpu.memory_space<vmem>>
        %dma_start3A_349 = tpu.memref_slice %arg2[%add3A_339] : memref<640000xi32, #tpu.memory_space<hbm>> -> memref<80xi32, #tpu.memory_space<hbm>>
        tpu.enqueue_dma source(%dma_start3A_349 : memref<80xi32, #tpu.memory_space<hbm>>) target(%dma_start3A_348 : memref<80xi32, #tpu.memory_space<vmem>>) target_semaphore(%dma_start3A_345 : memref<!tpu.dma_semaphore, #tpu.memory_space<semaphore_mem>>)
        %add3A_350 = arith.constant 320000 : i32
        %add3A_351 = arith.addi %add3A_350, %add3A_339 : i32
        %dma_start3A_352 = arith.constant 0 : i32
        %dma_start3A_353 = tpu.memref_slice %arg7[%rem3A_316, %dma_start3A_352] : memref<5x80xi32, #tpu.memory_space<vmem>> -> memref<1x80xi32, #tpu.memory_space<vmem>>
        %dma_start3A_354 = tpu.memref_squeeze %dma_start3A_353 : memref<1x80xi32, #tpu.memory_space<vmem>> -> memref<80xi32, #tpu.memory_space<vmem>>
        %dma_start3A_355 = tpu.memref_slice %arg2[%add3A_351] : memref<640000xi32, #tpu.memory_space<hbm>> -> memref<80xi32, #tpu.memory_space<hbm>>
        %dma_start3A_356 = tpu.memref_slice %arg11[%rem3A_316] : memref<5x!tpu.dma_semaphore, #tpu.memory_space<semaphore_mem>> -> memref<1x!tpu.dma_semaphore, #tpu.memory_space<semaphore_mem>>
        %dma_start3A_357 = tpu.memref_squeeze %dma_start3A_356 : memref<1x!tpu.dma_semaphore, #tpu.memory_space<semaphore_mem>> -> memref<!tpu.dma_semaphore, #tpu.memory_space<semaphore_mem>>
        %dma_start3A_358 = arith.constant 0 : i32
        %dma_start3A_359 = tpu.memref_slice %arg7[%rem3A_316, %dma_start3A_358] : memref<5x80xi32, #tpu.memory_space<vmem>> -> memref<1x80xi32, #tpu.memory_space<vmem>>
        %dma_start3A_360 = tpu.memref_squeeze %dma_start3A_359 : memref<1x80xi32, #tpu.memory_space<vmem>> -> memref<80xi32, #tpu.memory_space<vmem>>
        %dma_start3A_361 = tpu.memref_slice %arg2[%add3A_351] : memref<640000xi32, #tpu.memory_space<hbm>> -> memref<80xi32, #tpu.memory_space<hbm>>
        tpu.enqueue_dma source(%dma_start3A_361 : memref<80xi32, #tpu.memory_space<hbm>>) target(%dma_start3A_360 : memref<80xi32, #tpu.memory_space<vmem>>) target_semaphore(%dma_start3A_357 : memref<!tpu.dma_semaphore, #tpu.memory_space<semaphore_mem>>)
      } else {
      }
      %dma_wait3A_322 = arith.constant 0 : i32
      %dma_wait3A_323 = arith.constant 0 : i32
      %dma_wait3A_324 = tpu.memref_slice %arg8[%rem3A_310, %dma_wait3A_322, %dma_wait3A_323] : memref<4x80x128xf32, #tpu.memory_space<vmem>> -> memref<1x80x128xf32, #tpu.memory_space<vmem>>
      %dma_wait3A_325 = tpu.memref_squeeze %dma_wait3A_324 : memref<1x80x128xf32, #tpu.memory_space<vmem>> -> memref<80x128xf32, #tpu.memory_space<vmem>>
      %dma_wait3A_326 = arith.constant 0 : i32
      %dma_wait3A_327 = tpu.memref_slice %arg7[%rem3A_312, %dma_wait3A_326] : memref<5x80xi32, #tpu.memory_space<vmem>> -> memref<1x80xi32, #tpu.memory_space<vmem>>
      %dma_wait3A_328 = tpu.memref_squeeze %dma_wait3A_327 : memref<1x80xi32, #tpu.memory_space<vmem>> -> memref<80xi32, #tpu.memory_space<vmem>>
      %dma_wait3A_329 = arith.constant 0 : i32
      %dma_wait3A_330 = arith.constant 0 : i32
      %dma_wait3A_331 = tpu.memref_slice %arg3[%dma_wait3A_329, %dma_wait3A_330] : memref<10000x128xf32, #tpu.memory_space<hbm>> -> memref<10000x128xf32, #tpu.memory_space<hbm>>
      %dma_wait3A_332 = tpu.memref_slice %arg12[%rem3A_310] : memref<4x!tpu.dma_semaphore, #tpu.memory_space<semaphore_mem>> -> memref<1x!tpu.dma_semaphore, #tpu.memory_space<semaphore_mem>>
      %dma_wait3A_333 = tpu.memref_squeeze %dma_wait3A_332 : memref<1x!tpu.dma_semaphore, #tpu.memory_space<semaphore_mem>> -> memref<!tpu.dma_semaphore, #tpu.memory_space<semaphore_mem>>
      tpu.wait_indirect_dma semaphore(%dma_wait3A_333 : memref<!tpu.dma_semaphore, #tpu.memory_space<semaphore_mem>>) src(%dma_wait3A_331 : memref<10000x128xf32, #tpu.memory_space<hbm>>) dst(%dma_wait3A_325 : memref<80x128xf32, #tpu.memory_space<vmem>>)
      "tpu.region"() ({
        %run_scoped3A = tpu.sem_alloc : memref<!tpu.dma_semaphore, #tpu.memory_space<semaphore_mem>>
        %dma_start3A_337 = arith.constant 0 : i32
        %dma_start3A_338 = arith.constant 0 : i32
        %dma_start3A_339 = tpu.memref_slice %arg8[%rem3A_310, %dma_start3A_337, %dma_start3A_338] : memref<4x80x128xf32, #tpu.memory_space<vmem>> -> memref<1x80x128xf32, #tpu.memory_space<vmem>>
        %dma_start3A_340 = tpu.memref_squeeze %dma_start3A_339 : memref<1x80x128xf32, #tpu.memory_space<vmem>> -> memref<80x128xf32, #tpu.memory_space<vmem>>
        %dma_start3A_341 = arith.constant 0 : i32
        %dma_start3A_342 = tpu.memref_slice %arg6[%rem3A_312, %dma_start3A_341] : memref<5x80xi32, #tpu.memory_space<vmem>> -> memref<1x80xi32, #tpu.memory_space<vmem>>
        %dma_start3A_343 = tpu.memref_squeeze %dma_start3A_342 : memref<1x80xi32, #tpu.memory_space<vmem>> -> memref<80xi32, #tpu.memory_space<vmem>>
        %dma_start3A_344 = arith.constant 0 : i32
        %dma_start3A_345 = arith.constant 0 : i32
        %dma_start3A_346 = tpu.memref_slice %arg9[%dma_start3A_344, %dma_start3A_345] : memref<10008x128xf32, #tpu.memory_space<vmem_shared>> -> memref<10008x128xf32, #tpu.memory_space<vmem_shared>>
        tpu.enqueue_indirect_dma source(%dma_start3A_340 : memref<80x128xf32, #tpu.memory_space<vmem>>) target(%dma_start3A_346 : memref<10008x128xf32, #tpu.memory_space<vmem_shared>>) offsets(%dma_start3A_343 : memref<80xi32, #tpu.memory_space<vmem>>) semaphore(%run_scoped3A : memref<!tpu.dma_semaphore, #tpu.memory_space<semaphore_mem>>) {add = true}
        %dma_wait3A_347 = arith.constant 0 : i32
        %dma_wait3A_348 = arith.constant 0 : i32
        %dma_wait3A_349 = tpu.memref_slice %arg8[%rem3A_310, %dma_wait3A_347, %dma_wait3A_348] : memref<4x80x128xf32, #tpu.memory_space<vmem>> -> memref<1x80x128xf32, #tpu.memory_space<vmem>>
        %dma_wait3A_350 = tpu.memref_squeeze %dma_wait3A_349 : memref<1x80x128xf32, #tpu.memory_space<vmem>> -> memref<80x128xf32, #tpu.memory_space<vmem>>
        %dma_wait3A_351 = arith.constant 0 : i32
        %dma_wait3A_352 = tpu.memref_slice %arg6[%rem3A_312, %dma_wait3A_351] : memref<5x80xi32, #tpu.memory_space<vmem>> -> memref<1x80xi32, #tpu.memory_space<vmem>>
        %dma_wait3A_353 = tpu.memref_squeeze %dma_wait3A_352 : memref<1x80xi32, #tpu.memory_space<vmem>> -> memref<80xi32, #tpu.memory_space<vmem>>
        %dma_wait3A_354 = arith.constant 0 : i32
        %dma_wait3A_355 = arith.constant 0 : i32
        %dma_wait3A_356 = tpu.memref_slice %arg9[%dma_wait3A_354, %dma_wait3A_355] : memref<10008x128xf32, #tpu.memory_space<vmem_shared>> -> memref<10008x128xf32, #tpu.memory_space<vmem_shared>>
        tpu.wait_indirect_dma semaphore(%run_scoped3A : memref<!tpu.dma_semaphore, #tpu.memory_space<semaphore_mem>>) src(%dma_wait3A_350 : memref<80x128xf32, #tpu.memory_space<vmem>>) dst(%dma_wait3A_356 : memref<10008x128xf32, #tpu.memory_space<vmem_shared>>)
        tpu.yield
      }) : () -> ()
      %convert_element_type3A_334 = arith.extui %lt3A_318 : i1 to i32
      %cond3A_335 = arith.constant 0 : i32
      %cond3A_336 = arith.cmpi ne, %convert_element_type3A_334, %cond3A_335 : i32
      scf.if %cond3A_336 {
        %mul3A_337 = arith.constant 80 : i32
        %mul3A_338 = arith.muli %add3A_314, %mul3A_337 : i32
        %add3A_339 = arith.addi %mul3A_2, %mul3A_338 : i32
        %dma_wait3A_340 = arith.constant 0 : i32
        %dma_wait3A_341 = tpu.memref_slice %arg6[%rem3A_316, %dma_wait3A_340] : memref<5x80xi32, #tpu.memory_space<vmem>> -> memref<1x80xi32, #tpu.memory_space<vmem>>
        %dma_wait3A_342 = tpu.memref_squeeze %dma_wait3A_341 : memref<1x80xi32, #tpu.memory_space<vmem>> -> memref<80xi32, #tpu.memory_space<vmem>>
        %dma_wait3A_343 = tpu.memref_slice %arg2[%add3A_339] : memref<640000xi32, #tpu.memory_space<hbm>> -> memref<80xi32, #tpu.memory_space<hbm>>
        %dma_wait3A_344 = tpu.memref_slice %arg10[%rem3A_316] : memref<5x!tpu.dma_semaphore, #tpu.memory_space<semaphore_mem>> -> memref<1x!tpu.dma_semaphore, #tpu.memory_space<semaphore_mem>>
        %dma_wait3A_345 = tpu.memref_squeeze %dma_wait3A_344 : memref<1x!tpu.dma_semaphore, #tpu.memory_space<semaphore_mem>> -> memref<!tpu.dma_semaphore, #tpu.memory_space<semaphore_mem>>
        %dma_wait3A_346 = arith.constant 0 : i32
        %dma_wait3A_347 = tpu.memref_slice %arg6[%rem3A_316, %dma_wait3A_346] : memref<5x80xi32, #tpu.memory_space<vmem>> -> memref<1x80xi32, #tpu.memory_space<vmem>>
        %dma_wait3A_348 = tpu.memref_squeeze %dma_wait3A_347 : memref<1x80xi32, #tpu.memory_space<vmem>> -> memref<80xi32, #tpu.memory_space<vmem>>
        %dma_wait3A_349 = tpu.memref_slice %arg2[%add3A_339] : memref<640000xi32, #tpu.memory_space<hbm>> -> memref<80xi32, #tpu.memory_space<hbm>>
        tpu.wait_dma2 semaphore(%dma_wait3A_345 : memref<!tpu.dma_semaphore, #tpu.memory_space<semaphore_mem>>) src(%dma_wait3A_349 : memref<80xi32, #tpu.memory_space<hbm>>) dst(%dma_wait3A_348 : memref<80xi32, #tpu.memory_space<vmem>>)
        %add3A_350 = arith.constant 320000 : i32
        %add3A_351 = arith.addi %add3A_350, %add3A_339 : i32
        %dma_wait3A_352 = arith.constant 0 : i32
        %dma_wait3A_353 = tpu.memref_slice %arg7[%rem3A_316, %dma_wait3A_352] : memref<5x80xi32, #tpu.memory_space<vmem>> -> memref<1x80xi32, #tpu.memory_space<vmem>>
        %dma_wait3A_354 = tpu.memref_squeeze %dma_wait3A_353 : memref<1x80xi32, #tpu.memory_space<vmem>> -> memref<80xi32, #tpu.memory_space<vmem>>
        %dma_wait3A_355 = tpu.memref_slice %arg2[%add3A_351] : memref<640000xi32, #tpu.memory_space<hbm>> -> memref<80xi32, #tpu.memory_space<hbm>>
        %dma_wait3A_356 = tpu.memref_slice %arg11[%rem3A_316] : memref<5x!tpu.dma_semaphore, #tpu.memory_space<semaphore_mem>> -> memref<1x!tpu.dma_semaphore, #tpu.memory_space<semaphore_mem>>
        %dma_wait3A_357 = tpu.memref_squeeze %dma_wait3A_356 : memref<1x!tpu.dma_semaphore, #tpu.memory_space<semaphore_mem>> -> memref<!tpu.dma_semaphore, #tpu.memory_space<semaphore_mem>>
        %dma_wait3A_358 = arith.constant 0 : i32
        %dma_wait3A_359 = tpu.memref_slice %arg7[%rem3A_316, %dma_wait3A_358] : memref<5x80xi32, #tpu.memory_space<vmem>> -> memref<1x80xi32, #tpu.memory_space<vmem>>
        %dma_wait3A_360 = tpu.memref_squeeze %dma_wait3A_359 : memref<1x80xi32, #tpu.memory_space<vmem>> -> memref<80xi32, #tpu.memory_space<vmem>>
        %dma_wait3A_361 = tpu.memref_slice %arg2[%add3A_351] : memref<640000xi32, #tpu.memory_space<hbm>> -> memref<80xi32, #tpu.memory_space<hbm>>
        tpu.wait_dma2 semaphore(%dma_wait3A_357 : memref<!tpu.dma_semaphore, #tpu.memory_space<semaphore_mem>>) src(%dma_wait3A_361 : memref<80xi32, #tpu.memory_space<hbm>>) dst(%dma_wait3A_360 : memref<80xi32, #tpu.memory_space<vmem>>)
        %dma_start3A_362 = arith.constant 0 : i32
        %dma_start3A_363 = arith.constant 0 : i32
        %dma_start3A_364 = tpu.memref_slice %arg8[%rem3A_310, %dma_start3A_362, %dma_start3A_363] : memref<4x80x128xf32, #tpu.memory_space<vmem>> -> memref<1x80x128xf32, #tpu.memory_space<vmem>>
        %dma_start3A_365 = tpu.memref_squeeze %dma_start3A_364 : memref<1x80x128xf32, #tpu.memory_space<vmem>> -> memref<80x128xf32, #tpu.memory_space<vmem>>
        %dma_start3A_366 = arith.constant 0 : i32
        %dma_start3A_367 = tpu.memref_slice %arg7[%rem3A_316, %dma_start3A_366] : memref<5x80xi32, #tpu.memory_space<vmem>> -> memref<1x80xi32, #tpu.memory_space<vmem>>
        %dma_start3A_368 = tpu.memref_squeeze %dma_start3A_367 : memref<1x80xi32, #tpu.memory_space<vmem>> -> memref<80xi32, #tpu.memory_space<vmem>>
        %dma_start3A_369 = arith.constant 0 : i32
        %dma_start3A_370 = arith.constant 0 : i32
        %dma_start3A_371 = tpu.memref_slice %arg3[%dma_start3A_369, %dma_start3A_370] : memref<10000x128xf32, #tpu.memory_space<hbm>> -> memref<10000x128xf32, #tpu.memory_space<hbm>>
        %dma_start3A_372 = tpu.memref_slice %arg12[%rem3A_310] : memref<4x!tpu.dma_semaphore, #tpu.memory_space<semaphore_mem>> -> memref<1x!tpu.dma_semaphore, #tpu.memory_space<semaphore_mem>>
        %dma_start3A_373 = tpu.memref_squeeze %dma_start3A_372 : memref<1x!tpu.dma_semaphore, #tpu.memory_space<semaphore_mem>> -> memref<!tpu.dma_semaphore, #tpu.memory_space<semaphore_mem>>
        tpu.enqueue_indirect_dma source(%dma_start3A_371 : memref<10000x128xf32, #tpu.memory_space<hbm>>) target(%dma_start3A_365 : memref<80x128xf32, #tpu.memory_space<vmem>>) offsets(%dma_start3A_368 : memref<80xi32, #tpu.memory_space<vmem>>) semaphore(%dma_start3A_373 : memref<!tpu.dma_semaphore, #tpu.memory_space<semaphore_mem>>)
      } else {
      }
    }
    %scan3A_297 = arith.constant 125 : i32
    %barrier3A_298 = arith.constant 0 : index
    tpu.barrier barrier_id(%barrier3A_298)
    %lt3A_299 = arith.constant 15 : i32
    %lt3A_300 = arith.cmpi slt, %arg1, %lt3A_299 : i32
    %convert_element_type3A_301 = arith.extui %lt3A_300 : i1 to i32
    %cond3A_302 = arith.constant 0 : i32
    %cond3A_303 = arith.cmpi ne, %convert_element_type3A_301, %cond3A_302 : i32
    scf.if %cond3A_303 {
      "tpu.region"() ({
        %run_scoped3A = tpu.sem_alloc : memref<!tpu.dma_semaphore, #tpu.memory_space<semaphore_mem>>
        %dma_start3A_309 = arith.constant 0 : i32
        %dma_start3A_310 = tpu.memref_slice %arg5[%arg0, %mul3A_286, %dma_start3A_309] : memref<2x10000x128xf32, #tpu.memory_space<hbm>> -> memref<1x624x128xf32, #tpu.memory_space<hbm>>
        %dma_start3A_311 = tpu.memref_squeeze %dma_start3A_310 : memref<1x624x128xf32, #tpu.memory_space<hbm>> -> memref<624x128xf32, #tpu.memory_space<hbm>>
        %dma_start3A_312 = arith.constant 0 : i32
        %dma_start3A_313 = tpu.memref_slice %arg9[%mul3A_286, %dma_start3A_312] : memref<10008x128xf32, #tpu.memory_space<vmem_shared>> -> memref<624x128xf32, #tpu.memory_space<vmem_shared>>
        tpu.enqueue_dma source(%dma_start3A_313 : memref<624x128xf32, #tpu.memory_space<vmem_shared>>) target(%dma_start3A_311 : memref<624x128xf32, #tpu.memory_space<hbm>>) target_semaphore(%run_scoped3A : memref<!tpu.dma_semaphore, #tpu.memory_space<semaphore_mem>>)
        %dma_wait3A_314 = arith.constant 0 : i32
        %dma_wait3A_315 = tpu.memref_slice %arg5[%arg0, %mul3A_286, %dma_wait3A_314] : memref<2x10000x128xf32, #tpu.memory_space<hbm>> -> memref<1x624x128xf32, #tpu.memory_space<hbm>>
        %dma_wait3A_316 = tpu.memref_squeeze %dma_wait3A_315 : memref<1x624x128xf32, #tpu.memory_space<hbm>> -> memref<624x128xf32, #tpu.memory_space<hbm>>
        %dma_wait3A_317 = arith.constant 0 : i32
        %dma_wait3A_318 = tpu.memref_slice %arg9[%mul3A_286, %dma_wait3A_317] : memref<10008x128xf32, #tpu.memory_space<vmem_shared>> -> memref<624x128xf32, #tpu.memory_space<vmem_shared>>
        tpu.wait_dma2 semaphore(%run_scoped3A : memref<!tpu.dma_semaphore, #tpu.memory_space<semaphore_mem>>) src(%dma_wait3A_318 : memref<624x128xf32, #tpu.memory_space<vmem_shared>>) dst(%dma_wait3A_316 : memref<624x128xf32, #tpu.memory_space<hbm>>)
        tpu.yield
      }) : () -> ()
    } else {
    }
    %eq3A_304 = arith.constant 15 : i32
    %eq3A_305 = arith.cmpi eq, %arg1, %eq3A_304 : i32
    %convert_element_type3A_306 = arith.extui %eq3A_305 : i1 to i32
    %cond3A_307 = arith.constant 0 : i32
    %cond3A_308 = arith.cmpi ne, %convert_element_type3A_306, %cond3A_307 : i32
    scf.if %cond3A_308 {
      "tpu.region"() ({
        %run_scoped3A = tpu.sem_alloc : memref<!tpu.dma_semaphore, #tpu.memory_space<semaphore_mem>>
        %dma_start3A_309 = arith.constant 9360 : i32
        %dma_start3A_310 = arith.constant 0 : i32
        %dma_start3A_311 = tpu.memref_slice %arg5[%arg0, %dma_start3A_309, %dma_start3A_310] : memref<2x10000x128xf32, #tpu.memory_space<hbm>> -> memref<1x640x128xf32, #tpu.memory_space<hbm>>
        %dma_start3A_312 = tpu.memref_squeeze %dma_start3A_311 : memref<1x640x128xf32, #tpu.memory_space<hbm>> -> memref<640x128xf32, #tpu.memory_space<hbm>>
        %dma_start3A_313 = arith.constant 9360 : i32
        %dma_start3A_314 = arith.constant 0 : i32
        %dma_start3A_315 = tpu.memref_slice %arg9[%dma_start3A_313, %dma_start3A_314] : memref<10008x128xf32, #tpu.memory_space<vmem_shared>> -> memref<640x128xf32, #tpu.memory_space<vmem_shared>>
        tpu.enqueue_dma source(%dma_start3A_315 : memref<640x128xf32, #tpu.memory_space<vmem_shared>>) target(%dma_start3A_312 : memref<640x128xf32, #tpu.memory_space<hbm>>) target_semaphore(%run_scoped3A : memref<!tpu.dma_semaphore, #tpu.memory_space<semaphore_mem>>)
        %dma_wait3A_316 = arith.constant 9360 : i32
        %dma_wait3A_317 = arith.constant 0 : i32
        %dma_wait3A_318 = tpu.memref_slice %arg5[%arg0, %dma_wait3A_316, %dma_wait3A_317] : memref<2x10000x128xf32, #tpu.memory_space<hbm>> -> memref<1x640x128xf32, #tpu.memory_space<hbm>>
        %dma_wait3A_319 = tpu.memref_squeeze %dma_wait3A_318 : memref<1x640x128xf32, #tpu.memory_space<hbm>> -> memref<640x128xf32, #tpu.memory_space<hbm>>
        %dma_wait3A_320 = arith.constant 9360 : i32
        %dma_wait3A_321 = arith.constant 0 : i32
        %dma_wait3A_322 = tpu.memref_slice %arg9[%dma_wait3A_320, %dma_wait3A_321] : memref<10008x128xf32, #tpu.memory_space<vmem_shared>> -> memref<640x128xf32, #tpu.memory_space<vmem_shared>>
        tpu.wait_dma2 semaphore(%run_scoped3A : memref<!tpu.dma_semaphore, #tpu.memory_space<semaphore_mem>>) src(%dma_wait3A_322 : memref<640x128xf32, #tpu.memory_space<vmem_shared>>) dst(%dma_wait3A_319 : memref<640x128xf32, #tpu.memory_space<hbm>>)
        tpu.yield
      }) : () -> ()
    } else {
    }
    return
  }
}

module attributes {stable_mosaic.version = 14 : i64} {
  func.func @body(%arg0: i32, %arg1: memref<1x2000x128xf32, #tpu.memory_space<vmem>>, %arg2: memref<1x2000x128xf32, #tpu.memory_space<vmem>>, %arg3: memref<128x128xf32, #tpu.memory_space<vmem>>, %arg4: memref<2000x128xf32, #tpu.memory_space<vmem>>) attributes {dimension_semantics = [#tpu.dimension_semantics<arbitrary>], iteration_bounds = array<i64: 5>, scalar_prefetch = 0 : i64, scratch_operands = 0 : i64, tpu.core_type = #tpu.core_type<tc>, window_params = [{transform_indices = @transform_0, window_bounds = array<i64: 1, 2000, 128>}, {transform_indices = @transform_1, window_bounds = array<i64: 1, 2000, 128>}, {pipeline_mode = #tpu.pipeline_mode<synchronous>, transform_indices = @transform_2, window_bounds = array<i64: 128, 128>}, {transform_indices = @transform_3, window_bounds = array<i64: 2000, 128>}]} {
    %get3A = arith.constant 0 : index
    %get3A_0 = arith.constant 0 : index
    %get3A_1 = arith.constant 0 : index
    %get3A_2 = vector.load %arg1[%get3A, %get3A_0, %get3A_1] : memref<1x2000x128xf32, #tpu.memory_space<vmem>>, vector<1x2000x128xf32>
    %get3A_3 = vector.shape_cast %get3A_2 : vector<1x2000x128xf32> to vector<2000x128xf32>
    %get3A_4 = arith.constant 0 : index
    %get3A_5 = arith.constant 0 : index
    %get3A_6 = arith.constant 0 : index
    %get3A_7 = vector.load %arg2[%get3A_4, %get3A_5, %get3A_6] : memref<1x2000x128xf32, #tpu.memory_space<vmem>>, vector<1x2000x128xf32>
    %get3A_8 = vector.shape_cast %get3A_7 : vector<1x2000x128xf32> to vector<2000x128xf32>
    %add3A = arith.addf %get3A_3, %get3A_8 : vector<2000x128xf32>
    %max3A = arith.constant 0.000000e+00 : f32
    %max3A_9 = vector.broadcast %max3A : f32 to vector<2000x128xf32>
    %max3A_10 = arith.maximumf %add3A, %max3A_9 : vector<2000x128xf32>
    %get3A_11 = arith.constant 0 : index
    %get3A_12 = arith.constant 0 : index
    %get3A_13 = vector.load %arg3[%get3A_11, %get3A_12] : memref<128x128xf32, #tpu.memory_space<vmem>>, vector<128x128xf32>
    %dot_general3A = arith.constant dense<0.000000e+00> : vector<2000x128xf32>
    %dot_general3A_14 = tpu.matmul %max3A_10, %get3A_13, %dot_general3A {dimension_numbers = #tpu.dot_dimension_numbers<[1], [0], [0], [1], [0, 0, 1, 1], [], []>, transpose_lhs_hint = false} : vector<2000x128xf32>, vector<128x128xf32>, vector<2000x128xf32> -> vector<2000x128xf32>
    %swap3A = arith.constant 0 : index
    %swap3A_15 = arith.constant 0 : index
    %swap3A_16 = vector.load %arg4[%swap3A, %swap3A_15] : memref<2000x128xf32, #tpu.memory_space<vmem>>, vector<2000x128xf32>
    tpu.vector_store %arg4[%swap3A, %swap3A_15], %dot_general3A_14 {strides = array<i32>} : memref<2000x128xf32, #tpu.memory_space<vmem>>, vector<2000x128xf32>,
    return
  }
  func.func @transform_0(%arg0: i32) -> (i32, i32, i32) {
    %c0_i32 = arith.constant 0 : i32
    %c0_i32_0 = arith.constant 0 : i32
    %c0_i32_1 = arith.constant 0 : i32
    return %c0_i32, %arg0, %c0_i32_0 : i32, i32, i32
  }
  func.func @transform_1(%arg0: i32) -> (i32, i32, i32) {
    %c1_i32 = arith.constant 1 : i32
    %c0_i32 = arith.constant 0 : i32
    %c0_i32_0 = arith.constant 0 : i32
    return %c1_i32, %arg0, %c0_i32 : i32, i32, i32
  }
  func.func @transform_2(%arg0: i32) -> (i32, i32) {
    %c0_i32 = arith.constant 0 : i32
    %c0_i32_0 = arith.constant 0 : i32
    %c0_i32_1 = arith.constant 0 : i32
    return %c0_i32, %c0_i32_0 : i32, i32
  }
  func.func @transform_3(%arg0: i32) -> (i32, i32) {
    %c0_i32 = arith.constant 0 : i32
    %c0_i32_0 = arith.constant 0 : i32
    return %arg0, %c0_i32 : i32, i32
  }
}

module attributes {stable_mosaic.version = 14 : i64} {
  func.func @body(%arg0: i32, %arg1: memref<1x2000x128xf32, #tpu.memory_space<vmem>>, %arg2: memref<1x2000x128xf32, #tpu.memory_space<vmem>>, %arg3: memref<2000x128xf32, #tpu.memory_space<vmem>>) attributes {dimension_semantics = [#tpu.dimension_semantics<arbitrary>], iteration_bounds = array<i64: 5>, scalar_prefetch = 0 : i64, scratch_operands = 0 : i64, tpu.core_type = #tpu.core_type<tc>, window_params = [{transform_indices = @transform_0, window_bounds = array<i64: 1, 2000, 128>}, {transform_indices = @transform_1, window_bounds = array<i64: 1, 2000, 128>}, {transform_indices = @transform_2, window_bounds = array<i64: 2000, 128>}]} {
    %get3A = arith.constant 0 : index
    %get3A_0 = arith.constant 0 : index
    %get3A_1 = arith.constant 0 : index
    %get3A_2 = vector.load %arg1[%get3A, %get3A_0, %get3A_1] : memref<1x2000x128xf32, #tpu.memory_space<vmem>>, vector<1x2000x128xf32>
    %get3A_3 = vector.shape_cast %get3A_2 : vector<1x2000x128xf32> to vector<2000x128xf32>
    %get3A_4 = arith.constant 0 : index
    %get3A_5 = arith.constant 0 : index
    %get3A_6 = arith.constant 0 : index
    %get3A_7 = vector.load %arg2[%get3A_4, %get3A_5, %get3A_6] : memref<1x2000x128xf32, #tpu.memory_space<vmem>>, vector<1x2000x128xf32>
    %get3A_8 = vector.shape_cast %get3A_7 : vector<1x2000x128xf32> to vector<2000x128xf32>
    %add3A = arith.addf %get3A_3, %get3A_8 : vector<2000x128xf32>
    %swap3A = arith.constant 0 : index
    %swap3A_9 = arith.constant 0 : index
    %swap3A_10 = vector.load %arg3[%swap3A, %swap3A_9] : memref<2000x128xf32, #tpu.memory_space<vmem>>, vector<2000x128xf32>
    tpu.vector_store %arg3[%swap3A, %swap3A_9], %add3A {strides = array<i32>} : memref<2000x128xf32, #tpu.memory_space<vmem>>, vector<2000x128xf32>,
    return
  }
  func.func @transform_0(%arg0: i32) -> (i32, i32, i32) {
    %c0_i32 = arith.constant 0 : i32
    %c0_i32_0 = arith.constant 0 : i32
    %c0_i32_1 = arith.constant 0 : i32
    return %c0_i32, %arg0, %c0_i32_0 : i32, i32, i32
  }
  func.func @transform_1(%arg0: i32) -> (i32, i32, i32) {
    %c1_i32 = arith.constant 1 : i32
    %c0_i32 = arith.constant 0 : i32
    %c0_i32_0 = arith.constant 0 : i32
    return %c1_i32, %arg0, %c0_i32 : i32, i32, i32
  }
  func.func @transform_2(%arg0: i32) -> (i32, i32) {
    %c0_i32 = arith.constant 0 : i32
    %c0_i32_0 = arith.constant 0 : i32
    return %arg0, %c0_i32 : i32, i32
  }
}

module attributes {stable_mosaic.version = 14 : i64} {
  func.func @body(%arg0: i32, %arg1: memref<2000x128xf32, #tpu.memory_space<vmem>>, %arg2: memref<128x128xf32, #tpu.memory_space<vmem>>, %arg3: memref<2000x128xf32, #tpu.memory_space<vmem>>) attributes {dimension_semantics = [#tpu.dimension_semantics<arbitrary>], iteration_bounds = array<i64: 5>, scalar_prefetch = 0 : i64, scratch_operands = 0 : i64, tpu.core_type = #tpu.core_type<tc>, window_params = [{transform_indices = @transform_0, window_bounds = array<i64: 2000, 128>}, {pipeline_mode = #tpu.pipeline_mode<synchronous>, transform_indices = @transform_1, window_bounds = array<i64: 128, 128>}, {transform_indices = @transform_2, window_bounds = array<i64: 2000, 128>}]} {
    %get3A = arith.constant 0 : index
    %get3A_0 = arith.constant 0 : index
    %get3A_1 = vector.load %arg1[%get3A, %get3A_0] : memref<2000x128xf32, #tpu.memory_space<vmem>>, vector<2000x128xf32>
    %get3A_2 = arith.constant 0 : index
    %get3A_3 = arith.constant 0 : index
    %get3A_4 = vector.load %arg2[%get3A_2, %get3A_3] : memref<128x128xf32, #tpu.memory_space<vmem>>, vector<128x128xf32>
    %dot_general3A = arith.constant dense<0.000000e+00> : vector<2000x128xf32>
    %dot_general3A_5 = tpu.matmul %get3A_1, %get3A_4, %dot_general3A {dimension_numbers = #tpu.dot_dimension_numbers<[1], [0], [0], [1], [0, 0, 1, 1], [], []>, transpose_lhs_hint = false} : vector<2000x128xf32>, vector<128x128xf32>, vector<2000x128xf32> -> vector<2000x128xf32>
    %swap3A = arith.constant 0 : index
    %swap3A_6 = arith.constant 0 : index
    %swap3A_7 = vector.load %arg3[%swap3A, %swap3A_6] : memref<2000x128xf32, #tpu.memory_space<vmem>>, vector<2000x128xf32>
    tpu.vector_store %arg3[%swap3A, %swap3A_6], %dot_general3A_5 {strides = array<i32>} : memref<2000x128xf32, #tpu.memory_space<vmem>>, vector<2000x128xf32>,
    return
  }
  func.func @transform_0(%arg0: i32) -> (i32, i32) {
    %c0_i32 = arith.constant 0 : i32
    %c0_i32_0 = arith.constant 0 : i32
    return %arg0, %c0_i32 : i32, i32
  }
  func.func @transform_1(%arg0: i32) -> (i32, i32) {
    %c0_i32 = arith.constant 0 : i32
    %c0_i32_0 = arith.constant 0 : i32
    %c0_i32_1 = arith.constant 0 : i32
    return %c0_i32, %c0_i32_0 : i32, i32
  }
  func.func @transform_2(%arg0: i32) -> (i32, i32) {
    %c0_i32 = arith.constant 0 : i32
    %c0_i32_0 = arith.constant 0 : i32
    return %arg0, %c0_i32 : i32, i32
  }
}

</mosaic_0001>

<sc_bundles>
// kernel: kernel.10.cloned.1.call-start
scs
__scs_entry_jumppad:
0x0: {  	(pc) =	sbr.rel $0x88, $3  }
0x1: {  	(tag) =	ssettag $0x0;
	lr =	simm.s32 $0x1  }
0x2: {  	[smem:$0x3F9D] =	sst lr;
	_ =	strace $0xD0000000  }
0x3: {  	_ = 	snop  }
0x4: {  	_ = 	snop  }
0x5: {  	_ = 	snop  }
0x6: {  	_ = 	snop  }
0x7: {  	_ = 	snop  }
__scs_overlays_trampoline_lowered:
0x8: {  	[smem:$0x3FAC] =	sst s0  }
0x9: {  	[smem:$0x3FAD] =	sst s1  }
0xa: {  	[smem:$0x3FAE] =	sst s2  }
0xb: {  	[smem:$0x3FAF] =	sst s3  }
0xc: {  	[smem:$0x3FB0] =	sst s4  }
0xd: {  	[smem:$0x3FB1] =	sst s5  }
0xe: {  	[smem:$0x3FB2] =	sst s6  }
0xf: {  	[smem:$0x3FB3] =	sst s7  }
0x10: {  	[smem:$0x3FB4] =	sst s8  }
0x11: {  	[smem:$0x3FB5] =	sst s9;
	s0 =	simm.s32 @!p0 $0x0  }
0x12: {  	s1 =	sld [smem:$0x3F9B];
	s0 =	simm.s32 @p0 $0x1  }
0x13: {  	[smem:$0x3FB6] =	sst s0;
	s0 =	simm.s32 @!p1 $0x0  }
0x14: {  	s2 =	sld [smem:$0x3F9A];
	s0 =	simm.s32 @p1 $0x1  }
0x15: {  	[smem:$0x3FB7] =	sst s0;
	s0 =	simm.s32 @!p2 $0x0  }
0x16: {  	s3 =	sld [smem:$0x3FDB];
	s0 =	simm.s32 @p2 $0x1  }
0x17: {  	s4 =	simm.s32 $0x1BF5;
	[smem:$0x3FB9] =	sst s0  }
0x18: {  	s0 =	sld [smem:$0x3F9C];
	_ =	swait.ge [sflag:s4], $0x0  }
0x19: {  	s7 =	sld [smem:$0x3F9D]  }
0x1a: {  	s8 =	sadd.s32 $0xFFFFE003, lr  }
0x1b: {  	s9 =	sadd.s32 $0xFFFFFEF7, lr;
	s5 =	simm.s32 $0xFFFFFFFF;
	p2 =	slt.u32 s8, $0xFFFFF086  }
0x1c: {  	p1 =	slt.u32 s9, $0xF7A;
	s5 =	simm.s32 @!p2 $0x0  }
0x1d: {  	s5 =	simm.s32 @p1 $0x1;
	p0 =	seq.s32 s7, s2  }
0x1e: {  	s7 =	smul.u32 @!p0 $0xF7A, s2;
	p2 =	seq.s32 @!p0 s5, $0x0  }
0x1f: {  	s9 =	smul.u32 $0xF7A, s1;
	s8 =	simm.s32 @!p0 $0x1BF5;
	p2 =	por !p2, p0  }
0x20: {  	[sflag:s8] =	ssyncset.s32 @!p0 $0xFFFFF086;
	s6 =	sadd.s32 @!p0 s3, s7;
	s7 =	simm.s32 @!p0 $0x108  }
0x21: {  	s3 =	sadd.s32 s3, s9;
	s6 =	sadd.s32 @!p0 $0x88, s6;
	s7 =	simm.s32 @p2 $0x1082  }
0x22: {  	[simem:s7], [sflag:s8] =	dma.local @!p0 [hbm:s6], $0xF7A  }
0x23: {  	s9 =	sor.u32 $0xD0000000, s2;
	s6 =	simm.s32 $0x108;
	_ =	swait.ge @!p0 [sflag:s8], $0x0  }
0x24: {  	s3 =	sadd.s32 $0x88, s3;
	s6 =	simm.s32 @!p1 $0x1082;
	[sflag:s4] =	ssyncset.s32 $0xFFFFF086  }
0x25: {  	[simem:s6], [sflag:s4] =	dma.local [hbm:s3], $0xF7A  }
0x26: {  	[smem:$0x3F9D] =	sst s1;
	(tag) =	ssettag s2;
	_ =	strace s9  }
0x27: {  	s1 =	sld [smem:$0x3FAD]  }
0x28: {  	s2 =	sld [smem:$0x3FAE]  }
0x29: {  	s4 =	sld [smem:$0x3FB0]  }
0x2a: {  	p0 =	seq.s32 s5, $0x0;
	s5 =	sld [smem:$0x3FB1]  }
0x2b: {  	s6 =	sld [smem:$0x3FB2]  }
0x2c: {  	s7 =	sld [smem:$0x3FB3]  }
0x2d: {  	s3 =	simm.s32 $0x108;
	s8 =	sld [smem:$0x3FB4]  }
0x2e: {  	s3 =	simm.s32 @!p0 $0x1082;
	s9 =	sld [smem:$0x3FB5]  }
0x2f: {  	lr =	sadd.s32 s0, s3;
	s0 =	sld [smem:$0x3FAC]  }
0x30: {  	s3 =	sld [smem:$0x3FAF]  }
0x31: {  	[smem:$0x3FB8] =	sst s10  }
0x32: {  	s10 =	sld [smem:$0x3FB6];
	_ =	sdelay $0x3  }
0x33: {  	p0 =	seq.s32 s10, $0x1;
	s10 =	sld [smem:$0x3FB8];
	_ =	sdelay $0x3  }
0x34: {  	[smem:$0x3FB8] =	sst s10  }
0x35: {  	s10 =	sld [smem:$0x3FB7];
	_ =	sdelay $0x3  }
0x36: {  	p1 =	seq.s32 s10, $0x1;
	s10 =	sld [smem:$0x3FB8];
	_ =	sdelay $0x3  }
0x37: {  	[smem:$0x3FB8] =	sst s10  }
0x38: {  	s10 =	sld [smem:$0x3FB9]  }
0x39: {  	_ = 	snop;
	(pc) =	sbr.ind lr, $3  }
0x3a: {  	_ = 	snop  }
0x3b: {  	_ = 	snop  }
0x3c: {  	p2 =	seq.s32 s10, $0x1;
	s10 =	sld [smem:$0x3FB8]  }
0x3d: {  	_ =	shalt  }
0x3e: {  	_ =	shalt  }
0x3f: {  	_ =	shalt  }
0x40: {  	_ =	shalt  }
0x41: {  	_ =	shalt  }
0x42: {  	_ =	shalt  }
0x43: {  	_ =	shalt  }
0x44: {  	_ =	shalt  }
0x45: {  	_ =	shalt  }
0x46: {  	_ =	shalt  }
0x47: {  	_ =	shalt  }
0x48: {  	_ =	shalt  }
0x49: {  	_ =	shalt  }
0x4a: {  	_ =	shalt  }
0x4b: {  	_ =	shalt  }
0x4c: {  	_ =	shalt  }
0x4d: {  	_ =	shalt  }
0x4e: {  	_ =	shalt  }
0x4f: {  	_ =	shalt  }
0x50: {  	_ =	shalt  }
0x51: {  	_ =	shalt  }
0x52: {  	_ =	shalt  }
0x53: {  	_ =	shalt  }
0x54: {  	_ =	shalt  }
0x55: {  	_ =	shalt  }
0x56: {  	_ =	shalt  }
0x57: {  	_ =	shalt  }
0x58: {  	_ =	shalt  }
0x59: {  	_ =	shalt  }
0x5a: {  	_ =	shalt  }
0x5b: {  	_ =	shalt  }
0x5c: {  	_ =	shalt  }
0x5d: {  	_ =	shalt  }
0x5e: {  	_ =	shalt  }
0x5f: {  	_ =	shalt  }
0x60: {  	_ =	shalt  }
0x61: {  	_ =	shalt  }
0x62: {  	_ =	shalt  }
0x63: {  	_ =	shalt  }
0x64: {  	_ =	shalt  }
0x65: {  	_ =	shalt  }
0x66: {  	_ =	shalt  }
0x67: {  	_ =	shalt  }
0x68: {  	_ =	shalt  }
0x69: {  	_ =	shalt  }
0x6a: {  	_ =	shalt  }
0x6b: {  	_ =	shalt  }
0x6c: {  	_ =	shalt  }
0x6d: {  	_ =	shalt  }
0x6e: {  	_ =	shalt  }
0x6f: {  	_ =	shalt  }
0x70: {  	_ =	shalt  }
0x71: {  	_ =	shalt  }
0x72: {  	_ =	shalt  }
0x73: {  	_ =	shalt  }
0x74: {  	_ =	shalt  }
0x75: {  	_ =	shalt  }
0x76: {  	_ =	shalt  }
0x77: {  	_ =	shalt  }
0x78: {  	_ =	shalt  }
0x79: {  	_ =	shalt  }
0x7a: {  	_ =	shalt  }
0x7b: {  	_ =	shalt  }
0x7c: {  	_ =	shalt  }
0x7d: {  	_ =	shalt  }
0x7e: {  	_ =	shalt  }
0x7f: {  	_ =	shalt  }
0x80: {  	_ =	shalt  }
0x81: {  	_ =	shalt  }
0x82: {  	_ =	shalt  }
0x83: {  	_ =	shalt  }
0x84: {  	_ =	shalt  }
0x85: {  	_ =	shalt  }
0x86: {  	_ =	shalt  }
0x87: {  	_ =	shalt  }
.Lfunc_end0:
.L_simem_size_0:
called_computation.1_lowered:
.L_overlay_start_0:
0x88: {  	s2 =	sld [smem:$0x3FD9]  }
0x89: {  	s3 =	sld [smem:$0x3FFE];
	_ =	sdelay $0x1  }
0x8a: {  	s1 =	srdreg.scid  }
0x8b: {  	s0 =	sand.u32 $0x1, s1  }
0x8c: {  	s17 =	sshll.u32 s0, $0xA;
	s2 =	sadd.s32 s3, s2  }
0x8d: {  	s2 =	sadd.s32 s2, s17  }
0x8e: {  	[smem:$0x3FC4] =	sst s2  }
0x8f: {  	_ = 	snop  }
0x90: {  	s2 =	sld [smem:$0x3FD0];
	(tm) =	ssettm $0x1  }
0x91: {  	s18 =	sld [smem:$0x3FFB];
	_ =	sdelay $0x3  }
0x92: {  	_ =	strace s18  }
0x93: {  	s3 =	sld [smem:$0x3FFC];
	_ =	sdelay $0x3  }
0x94: {  	_ =	strace s3  }
0x95: {  	s3 =	sld [smem:$0x3FFD];
	_ =	sdelay $0x3  }
0x96: {  	_ =	strace s3  }
0x97: {  	_ =	strace $0x8FFFFFFF  }
0x98: {  	s19 =	sld [smem:$0x3FDB];
	_ =	sdelay $0x1  }
0x99: {  	s4 =	simm.s32 $_scs_section_size  }
0x9a: {  	s5 =	simm.s32 $_size__tile_overlayer_lowered;
	s6 =	simm.s32 $_tile_overlayer_lowered  }
0x9b: {  	s22 =	simm.s32 $0x1BFF;
	s21 =	sshll.u32 s6, $0x1;
	s3 =	sadd.s32 s4, s19  }
0x9c: {  	s7 =	simm.s32 $0x0;
	s20 =	sshll.u32 s5, $0x1;
	s5 =	sadd.s32 s21, s3  }
0x9d: {  	[timem:s7], [sflag:s22] =	dma.local [hbm:s5], s20  }
0x9e: {  	_ =	swait.ge [sflag:s22], s20  }
0x9f: {  	s4 =	ssub.s32 $0x0, s20;
	[sflag:s22] =	ssyncset.done $0x0  }
0xa0: {  	[sflag:s22] =	ssyncadd.s32 s4;
	_ =	sdelay $0x1  }
0xa1: {  	s23 =	simm.s32 $0x1B8B  }
0xa2: {  	_ =	swait.ge [sflag:s23], $0x1  }
0xa3: {  	[sflag:s23] =	ssyncset.done $0x0  }
0xa4: {  	s25 =	simm.s32 $0x1B8E;
	s24 =	sld [smem:$0x3FFE];
	[sflag:s23] =	ssyncadd.s32 $0xFFFFFFFF  }
0xa5: {  	s26 =	simm.s32 $execute0_lowered;
	[smem:$0x3FD2] =	sst s25  }
0xa6: {  	s5 =	sshll.u32 s26, $0x1;
	_ =	strace $0x80000049;
	[dreg:$0x1] =	wrdreg $0xFFFFFFFF  }
0xa7: {  	s28 =	simm.s32 $_size_execute0_lowered;
	s3 =	sadd.s32 s3, s5;
	[dreg:$0x0] =	wrdreg $0x0  }
0xa8: {  	s5 =	sshll.u32 s28, $0x1;
	[dreg:$0x2] =	wrdreg s3  }
0xa9: {  	[dreg:$0x3] =	wrdreg s5  }
0xaa: {  	[dreg:$0x4] =	wrdreg $0xC0  }
0xab: {  	_ =	task [dreg:s7], $0x5FFFF  }
0xac: {  	[dreg:$0x1] =	wrdreg $0xFFFFFFFF  }
0xad: {  	[dreg:$0x0] =	wrdreg $0x60  }
0xae: {  	[dreg:$0x2] =	wrdreg s24  }
0xaf: {  	[dreg:$0x3] =	wrdreg s2  }
0xb0: {  	[dreg:$0x4] =	wrdreg $0xA8000  }
0xb1: {  	[dreg:$0x5] =	wrdreg $0x9  }
0xb2: {  	_ =	task.clear_ibuf [dreg:s7], $0x6FFFF;
	_ =	strace $0x90000049  }
0xb3: {  	s29 =	simm.s32 $0x9;
	_ =	strace $0x8000004B  }
0xb4: {  	_ =	swait.ge [sflag:s29], $0x1  }
0xb5: {  	[sflag:s29] =	ssyncadd.s32 $0xFFFFFFFF  }
0xb6: {  	_ =	strace $0x9000004B  }
0xb7: {  	_ =	sfence  }
0xb8: {  	s30 =	sld [smem:$0x0];
	_ =	sdelay $0x2  }
0xb9: {  	s31 =	sshll.u32 s1, $0xD;
	s1 =	sshrl.u32 s1, $0x2  }
0xba: {  	s3 =	sand.u32 $0x4000, s31;
	s1 =	sadd.s32 s1, s30  }
0xbb: {  	s0 =	sor.u32 s3, s0;
	s1 =	sshll.u32 s1, $0x11  }
0xbc: {  	s0 =	sor.u32 s1, s0  }
0xbd: {  	s0 =	sadd.s32 $0x8F2B, s0  }
0xbe: {  	[sflag:s0] =	ssyncadd.remote.s32 $0x1  }
0xbf: {  	_ =	sfence.sel $0xFFFF  }
0xc0: {  	[dreg:$0x0] =	wrdreg $0xFFFFFFFF;
	(pc) =	sbr.abs _section_cstart, $3  }
0xc1: {  	[dreg:$0x1] =	wrdreg $0xFFFFFFFF  }
0xc2: {  	_ =	task.clear_ibuf [dreg:s7], $0x2FFFF;
	_ =	strace $0x9FFFFFFF  }
0xc3: {  	(tm) =	ssettm $0x7FFFFFFF  }
tec
execute0_lowered:
.L_overlay_start_1:
0x0: {  	(tag) =	ssettag $0x1  }
0x1: {  	s0 =	rddreg [dreg:$0x0]  }
0x2: {  	s1 =	rddreg [dreg:$0x1]  }
0x3: {  	s2 =	rddreg [dreg:$0x2];
	s3 =	srdreg.scid  }
0x4: {  	s4 =	simm.s32 $0x0;
	s13 =	stileid.u32;
	s30 =	simm.s32 $0x6  }
0x5: {  	s31 =	simm.s32 $0x50;
	s3 =	sand.u32 $0x1, s3;
	s14 =	smul.u32 $0x4E000, s13  }
0x6: {  	[smem:$0x7FF] =	sst s4;
	s7 =	sadd.s32 $0x1600, s0;
	s18 =	smul.u32 $0x13800, s13  }
0x7: {  	s20 =	smul.u32 $0x2710, s13;
	s22 =	sadd.s32 $0x124800, s2;
	p0 =	seq.s32 s13, $0xF  }
0x8: {  	s5 =	sshll.u32 s3, $0x4;
	_ =	strace $0x8000004A;
	s16 =	smul.u32 $0x138800, s3  }
0x9: {  	s8 =	ssub.s32 $0x2, s3;
	s3 =	smul.u32 $0x27100, s3;
	[dreg:$0xd] =	wrdreg s22  }
0xa: {  	s22 =	simm.s32 $0x2;
	s5 =	sor.u32 s13, s5;
	s9 =	sshrl.u32 s8, $0x1  }
0xb: {  	s6 =	smul.u32 $0x2710, s5;
	s5 =	sadd.s32 $0x15000, s0;
	s0 =	sadd.s32 $0x17800, s0  }
0xc: {  	s8 =	ssub.s32 s8, s9;
	s9 =	sshrl.u32 s14, $0x2;
	s23 =	sadd.s32 s18, s16  }
0xd: {  	s3 =	sadd.s32 s20, s3;
	s21 =	sadd.s32 s9, s2;
	s9 =	sshrl.u32 s23, $0x3  }
0xe: {  	s25 =	sadd.s32 $0x140, s3;
	s28 =	smax.u32 s8, $0x1;
	[dreg:$0xc] =	wrdreg s21  }
0xf: {  	s6 =	sshrl.u32 s6, $0x3;
	s24 =	sadd.s32 s0, s9;
	[dreg:$0x10] =	wrdreg s28  }
0x10: {  	s3 =	sadd.s32 $0x4E340, s3;
	s6 =	sadd.s32 s7, s6;
	[dreg:$0xe] =	wrdreg s24  }
0x11: {  	s8 =	simm.s32 $0xF;
	s10 =	sadd.s32 $0x9C40, s6;
	[dreg:$0x4] =	wrdreg s6  }
0x12: {  	s26 =	sshrl.u32 s25, $0x3;
	s15 =	sadd.s32 $0xA, s6;
	[dreg:$0x5] =	wrdreg s10  }
0x13: {  	s29 =	sshrl.u32 s3, $0x3;
	s11 =	sadd.s32 $0x9C4A, s6;
	[dreg:$0x6] =	wrdreg s15  }
0x14: {  	s3 =	simm.s32 $0x7;
	s17 =	sadd.s32 $0x14, s6;
	[dreg:$0x7] =	wrdreg s11  }
0x15: {  	s9 =	simm.s32 $0x0;
	s12 =	sadd.s32 $0x9C54, s6;
	[dreg:$0x8] =	wrdreg s17  }
0x16: {  	s20 =	sadd.s32 s29, s7;
	s19 =	sadd.s32 $0x1E, s6;
	[dreg:$0x9] =	wrdreg s12  }
0x17: {  	s6 =	sadd.s32 $0x9C5E, s6;
	[dreg:$0xa] =	wrdreg s19;
	s10 =	sshrl.u32 s16, $0x3  }
0x18: {  	s24 =	simm.s32 $0x4;
	[dreg:$0xb] =	wrdreg s6;
	s0 =	sadd.s32 s0, s10  }
0x19: {  	s19 =	sadd.s32 s26, s7;
	s26 =	simm.s32 $0x3;
	s0 =	sadd.s32 $0x24900, s0  }
0x1a: {  	s7 =	simm.s32 $0x9;
	[dreg:$0xf] =	wrdreg s0;
	s0 =	simm.s32 $0x8  }
.LBB2_1:
0x1b: {  	s6 =	rddreg [dreg:$0x4]  }
0x1c: {  	[tilespmem:s4], [sflag:$0x1] =	stream.linear.gather [hbm4b:s6+s4], $0x50, $0x38;
	[tilespmem:$0x1E0C0] =	vst v63  }
0x1d: {  	s15 =	rddreg [dreg:$0x5];
	s10 =	simm.s32 $0x400  }
0x1e: {  	[tilespmem:s10], [sflag:$0x6] =	stream.linear.gather [hbm4b:s15+s4], $0x50, $0x38;
	[tilespmem:$0x1E0C0] =	vst v63  }
0x1f: {  	s16 =	rddreg [dreg:$0x6];
	s11 =	simm.s32 $0x80  }
0x20: {  	[tilespmem:s11], [sflag:$0x2] =	stream.linear.gather [hbm4b:s16+s4], $0x50, $0x38;
	[tilespmem:$0x1E0C0] =	vst v63  }
0x21: {  	s17 =	rddreg [dreg:$0x7];
	s18 =	simm.s32 $0x480  }
0x22: {  	[tilespmem:s18], [sflag:$0x7] =	stream.linear.gather [hbm4b:s17+s4], $0x50, $0x38;
	[tilespmem:$0x1E0C0] =	vst v63  }
0x23: {  	s21 =	rddreg [dreg:$0x8];
	s12 =	simm.s32 $0x100  }
0x24: {  	[tilespmem:s12], [sflag:$0x3] =	stream.linear.gather [hbm4b:s21+s4], $0x50, $0x38;
	[tilespmem:$0x1E0C0] =	vst v63  }
0x25: {  	s23 =	rddreg [dreg:$0x9];
	s25 =	simm.s32 $0x500  }
0x26: {  	[tilespmem:s25], [sflag:$0x8] =	stream.linear.gather [hbm4b:s23+s4], $0x50, $0x38;
	[tilespmem:$0x1E0C0] =	vst v63  }
0x27: {  	s29 =	rddreg [dreg:$0xa];
	s13 =	simm.s32 $0x180  }
0x28: {  	[tilespmem:s13], [sflag:$0x4] =	stream.linear.gather [hbm4b:s29+s4], $0x50, $0x38;
	[tilespmem:$0x1E0C0] =	vst v63  }
0x29: {  	s14 =	simm.s32 $0x580;
	s15 =	simm.s32 $0x1;
	s13 =	rddreg [dreg:$0xb]  }
0x2a: {  	[tilespmem:s14], [sflag:$0x9] =	stream.linear.gather [hbm4b:s13+s4], $0x50, $0x38;
	[tilespmem:$0x1E0C0] =	vst v63  }
0x2b: {  	_ =	swait.ge [sflag:s15], $0x50  }
0x2c: {  	[sflag:s15] =	ssyncset.done $0x0  }
0x2d: {  	[sflag:s15] =	ssyncadd.s32 $0xFFFFFFB0  }
0x2e: {  	_ =	swait.ge [sflag:s30], $0x50  }
0x2f: {  	[sflag:s30] =	ssyncset.done $0x0  }
0x30: {  	s16 =	simm.s32 $0x800;
	[sflag:s30] =	ssyncadd.s32 $0xFFFFFFB0  }
0x31: {  	[tilespmem:s16], [sflag:$0xB] =	stream.indirect.gather [hbm4b:s1+s31], $0x80, s10, s31, $0xb8;
	[tilespmem:$0x1E0C0] =	vst v63  }
0x32: {  	_ =	swait.ge [sflag:s22], $0x50  }
0x33: {  	[sflag:s22] =	ssyncset.done $0x0  }
0x34: {  	[sflag:s22] =	ssyncadd.s32 $0xFFFFFFB0  }
0x35: {  	_ =	swait.ge [sflag:s3], $0x50  }
0x36: {  	[sflag:s3] =	ssyncset.done $0x0  }
0x37: {  	s17 =	simm.s32 $0x3000;
	[sflag:s3] =	ssyncadd.s32 $0xFFFFFFB0  }
0x38: {  	[tilespmem:s17], [sflag:$0xC] =	stream.indirect.gather [hbm4b:s1+s31], $0x80, s18, s31, $0xb8;
	[tilespmem:$0x1E0C0] =	vst v63  }
0x39: {  	_ =	swait.ge [sflag:s26], $0x50  }
0x3a: {  	[sflag:s26] =	ssyncset.done $0x0  }
0x3b: {  	[sflag:s26] =	ssyncadd.s32 $0xFFFFFFB0  }
0x3c: {  	_ =	swait.ge [sflag:s0], $0x50  }
0x3d: {  	[sflag:s0] =	ssyncset.done $0x0  }
0x3e: {  	s18 =	simm.s32 $0x5800;
	[sflag:s0] =	ssyncadd.s32 $0xFFFFFFB0  }
0x3f: {  	[tilespmem:s18], [sflag:$0xD] =	stream.indirect.gather [hbm4b:s1+s31], $0x80, s25, s31, $0xb8;
	[tilespmem:$0x1E0C0] =	vst v63  }
0x40: {  	_ =	swait.ge [sflag:s24], $0x50  }
0x41: {  	[sflag:s24] =	ssyncset.done $0x0  }
0x42: {  	p1 =	por $0x0, $0x0;
	[sflag:s24] =	ssyncadd.s32 $0xFFFFFFB0  }
0x43: {  	s11 =	simm.s32 @p0 $0x1FCF;
	s21 =	simm.s32 $0x8000;
	_ =	swait.ge [sflag:s7], $0x50  }
0x44: {  	s23 =	smul.u32 $0xCD, s4;
	[sflag:s7] =	ssyncset.done $0x0;
	s6 =	rddreg [dreg:$0xd]  }
0x45: {  	s13 =	simm.s32 $0x1;
	[sflag:s7] =	ssyncadd.s32 $0xFFFFFFB0;
	s10 =	sshrl.u32 @p0 s6, $0x3  }
0x46: {  	[tilespmem:s21], [sflag:$0xE] =	stream.indirect.gather [hbm4b:s1+s31], $0x80, s14, s31, $0xb8;
	[tilespmem:$0x1E0C0] =	vst v63  }
0x47: {  	[spmem:s10], [sflag:s11] =	dma.local @p0 [hbm:s5], $0x2800  }
0x48: {  	s15 =	simm.s32 @!p0 $0xF;
	s14 =	sadd.s32 $0x334, s23;
	s11 =	simm.s32 @p0 $0xF  }
0x49: {  	s17 =	sand.u32 $0x3, s4;
	s14 =	sshrl.u32 s14, $0xA;
	_ =	swait.ge @p0 [sflag:s11], $0x2800  }
0x4a: {  	s6 =	stileid.u32;
	s14 =	sand.u32 $0x3F, s14;
	[sflag:s11] =	ssyncset.done @p0 $0x0  }
0x4b: {  	[sflag:s11] =	ssyncadd.s32 @p0 $0xFFFFD800;
	s11 =	sshll.u32 @!p0 s6, $0x6;
	s6 =	rddreg [dreg:$0xc]  }
0x4c: {  	s14 =	smul.u32 $0x5, s14;
	s11 =	sor.u32 @!p0 $0x1C0F, s11;
	s12 =	sshrl.u32 @!p0 s6, $0x3  }
0x4d: {  	[spmem:s12], [sflag:s11] =	dma.local @!p0 [hbm:s5], $0x2700  }
0x4e: {  	s25 =	sshrl.u32 s23, $0xA;
	s18 =	simm.s32 @!p1 $0x0;
	_ =	swait.ge @!p0 [sflag:s15], $0x2700  }
0x4f: {  	s23 =	smul.u32 $0xA000, s17;
	s14 =	ssub.s32 $0x0, s14;
	[sflag:s15] =	ssyncset.done @!p0 $0x0  }
0x50: {  	s14 =	sadd.s32 $0x4, s14;
	[sflag:s15] =	ssyncadd.s32 @!p0 $0xFFFFD900;
	s15 =	sand.u32 $0x3F, s25  }
0x51: {  	s17 =	sadd.s32 $0xB, s17;
	s16 =	smul.u32 $0x5, s15;
	s15 =	sand.u32 $0xFF, s14  }
0x52: {  	[bflag:$0x0] =	sbarrier.arrive $0xFFFF;
	s14 =	sshll.u32 @!p1 s15, $0x7;
	s21 =	sadd.s32 @!p1 $0x1, s15  }
0x53: {  	[tilespmem:s14], [sflag:s21] =	stream.linear.gather @!p1 [hbm4b:s19+s18], $0x50, $0x38;
	[tilespmem:$0x1E0C0] =	vst v63  }
0x54: {  	s15 =	sadd.s32 @!p1 $0x6, s15;
	s14 =	sadd.s32 @!p1 $0x400, s14;
	p1 =	por p1, p1  }
0x55: {  	[tilespmem:s14], [sflag:s15] =	stream.linear.gather @!p1 [hbm4b:s20+s18], $0x50, $0x38;
	[tilespmem:$0x1E0C0] =	vst v63  }
0x56: {  	s29 =	sshrl.u32 s23, $0x2;
	s16 =	ssub.s32 $0x0, s16;
	_ =	swait.ge [sflag:s17], $0x2800  }
0x57: {  	s23 =	sadd.s32 $0x800, s29;
	s16 =	sand.u32 $0xFF, s16;
	[sflag:s17] =	ssyncset.done $0x0  }
0x58: {  	s25 =	smul.u32 $0xCD, s13;
	s16 =	sshll.u32 s16, $0x7;
	[sflag:s17] =	ssyncadd.s32 $0xFFFFD800  }
0x59: {  	[spmem:s2] =	stream.indirect.scatter.add.f32 [tilespmem:s23], [sflag:$0xF], $0x80, s16, s31, $0xb8;
	[tilespmem:$0x1E0C0] =	vst v63  }
0x5a: {  	s6 =	sshrl.u32 s25, $0xA;
	s25 =	sadd.s32 $0x334, s25;
	_ =	swait.ge [sflag:s8], $0x2800  }
0x5b: {  	s25 =	sshrl.u32 s25, $0xA;
	[sflag:s8] =	ssyncset.done $0x0  }
0x5c: {  	s29 =	sand.u32 $0x3F, s25;
	s16 =	sand.u32 $0x3F, s6;
	[sflag:s8] =	ssyncadd.s32 $0xFFFFD800  }
0x5d: {  	s18 =	simm.s32 $0x2;
	s6 =	smul.u32 $0x5, s16;
	_ =	swait.ge @!p1 [sflag:s21], $0x50  }
0x5e: {  	s28 =	smul.u32 $0x5, s29;
	s16 =	sadd.s32 $0xA, s20;
	[sflag:s21] =	ssyncset.done @!p1 $0x0  }
0x5f: {  	s25 =	ssub.s32 $0x1, s6;
	[sflag:s21] =	ssyncadd.s32 @!p1 $0xFFFFFFB0;
	s21 =	sadd.s32 $0xA, s19  }
.LBB2_2:
0x60: {  	s6 =	ssub.s32 s13, s28  }
0x61: {  	_ =	swait.ge @!p1 [sflag:s15], $0x50;
	s28 =	smov.u32 s18;
	s18 =	sadd.s32 $0x1, s18  }
0x62: {  	s29 =	simm.s32 @!p1 $0x50;
	s6 =	sadd.s32 $0x4, s6;
	[sflag:s15] =	ssyncset.done @!p1 $0x0  }
0x63: {  	p3 =	sgt.u32 s13, $0x78;
	s6 =	sand.u32 $0xFF, s6;
	[sflag:s15] =	ssyncadd.s32 @!p1 $0xFFFFFFB0  }
0x64: {  	[tilespmem:s23], [sflag:s17] =	stream.indirect.gather @!p1 [hbm4b:s1+s29], $0x80, s14, s29, $0xb8;
	[tilespmem:$0x1E0C0] =	vst v63  }
0x65: {  	p2 =	sne.s32 s18, $0x7D;
	s17 =	sshll.u32 @!p3 s6, $0x7;
	s29 =	sadd.s32 @!p3 $0x1, s6  }
0x66: {  	s23 =	simm.s32 @!p3 $0x0;
	s15 =	sadd.s32 @!p3 $0x6, s6;
	s14 =	sadd.s32 @!p3 $0x400, s17  }
0x67: {  	[tilespmem:s17], [sflag:s29] =	stream.linear.gather @!p3 [hbm4b:s21+s23], $0x50, $0x38;
	[tilespmem:$0x1E0C0] =	vst v63  }
0x68: {  	s6 =	sand.u32 $0x3, s13;
	s13 =	smov.u32 s28;
	p1 =	por p3, p3  }
0x69: {  	s28 =	smul.u32 $0xA000, s6;
	s17 =	sadd.s32 $0xB, s6  }
0x6a: {  	[tilespmem:s14], [sflag:s15] =	stream.linear.gather @!p1 [hbm4b:s16+s23], $0x50, $0x38;
	[tilespmem:$0x1E0C0] =	vst v63  }
0x6b: {  	s6 =	sand.u32 $0xFF, s25;
	s23 =	sshrl.u32 s28, $0x2;
	_ =	swait.ge [sflag:s17], $0x2800  }
0x6c: {  	s6 =	sshll.u32 s6, $0x7;
	s23 =	sadd.s32 $0x800, s23;
	[sflag:s17] =	ssyncset.done $0x0  }
0x6d: {  	s25 =	smul.u32 $0xCD, s13;
	[sflag:s17] =	ssyncadd.s32 $0xFFFFD800  }
0x6e: {  	[spmem:s2] =	stream.indirect.scatter.add.f32 [tilespmem:s23], [sflag:$0xF], $0x80, s6, s31, $0xb8;
	[tilespmem:$0x1E0C0] =	vst v63  }
0x6f: {  	s6 =	sshrl.u32 s25, $0xA;
	_ =	swait.ge [sflag:s8], $0x2800  }
.Ltmp0:
0x70: {  	s25 =	sadd.s32 $0x334, s25;
	[sflag:s8] =	ssyncset.done $0x0;
	(pc) =	sbr.rel @p2 .LBB2_2-.Ltmp0, $4  }
0x71: {  	s6 =	sand.u32 $0x3F, s6;
	s25 =	sshrl.u32 s25, $0xA;
	[sflag:s8] =	ssyncadd.s32 $0xFFFFD800  }
0x72: {  	s6 =	smul.u32 $0x5, s6;
	s25 =	sand.u32 $0x3F, s25;
	_ =	swait.ge @!p1 [sflag:s29], $0x50  }
0x73: {  	s16 =	sadd.s32 $0xA, s16;
	s28 =	smul.u32 $0x5, s25;
	[sflag:s29] =	ssyncset.done @!p1 $0x0  }
0x74: {  	s21 =	sadd.s32 $0xA, s21;
	s25 =	ssub.s32 s13, s6;
	[sflag:s29] =	ssyncadd.s32 @!p1 $0xFFFFFFB0  }
0x75: {  	s6 =	ssub.s32 s13, s28;
	_ =	swait.ge @!p1 [sflag:s15], $0x50  }
0x76: {  	s18 =	simm.s32 @!p1 $0x50;
	s6 =	sadd.s32 $0x4, s6;
	[sflag:s15] =	ssyncset.done @!p1 $0x0  }
0x77: {  	p2 =	sgt.u32 s13, $0x78;
	s6 =	sand.u32 $0xFF, s6;
	[sflag:s15] =	ssyncadd.s32 @!p1 $0xFFFFFFB0  }
0x78: {  	[tilespmem:s23], [sflag:s17] =	stream.indirect.gather @!p1 [hbm4b:s1+s18], $0x80, s14, s18, $0xb8;
	[tilespmem:$0x1E0C0] =	vst v63  }
0x79: {  	s14 =	sshll.u32 @!p2 s6, $0x7;
	s15 =	sadd.s32 @!p2 $0x1, s6;
	s17 =	simm.s32 @!p2 $0x0  }
0x7a: {  	[tilespmem:s14], [sflag:s15] =	stream.linear.gather @!p2 [hbm4b:s21+s17], $0x50, $0x38;
	[tilespmem:$0x1E0C0] =	vst v63  }
0x7b: {  	s6 =	sadd.s32 @!p2 $0x6, s6;
	p1 =	por p2, p2;
	s21 =	sand.u32 $0x3, s13  }
0x7c: {  	s14 =	sadd.s32 @!p2 $0x400, s14;
	s23 =	smul.u32 $0xA000, s21;
	s13 =	sadd.s32 $0xB, s21  }
0x7d: {  	[tilespmem:s14], [sflag:s6] =	stream.linear.gather @!p1 [hbm4b:s16+s17], $0x50, $0x38;
	[tilespmem:$0x1E0C0] =	vst v63  }
0x7e: {  	_ =	swait.ge [sflag:s13], $0x2800  }
0x7f: {  	s25 =	sand.u32 $0xFF, s25;
	s28 =	sshrl.u32 s23, $0x2;
	[sflag:s13] =	ssyncset.done $0x0  }
0x80: {  	s16 =	sshll.u32 s25, $0x7;
	s17 =	sadd.s32 $0x800, s28;
	[sflag:s13] =	ssyncadd.s32 $0xFFFFD800  }
0x81: {  	[spmem:s2] =	stream.indirect.scatter.add.f32 [tilespmem:s17], [sflag:$0xF], $0x80, s16, s31, $0xb8;
	[tilespmem:$0x1E0C0] =	vst v63  }
0x82: {  	_ =	swait.ge [sflag:s8], $0x2800  }
0x83: {  	[sflag:s8] =	ssyncset.done $0x0  }
0x84: {  	[sflag:s8] =	ssyncadd.s32 $0xFFFFD800  }
0x85: {  	_ =	swait.ge @!p1 [sflag:s15], $0x50  }
0x86: {  	[sflag:s15] =	ssyncset.done @!p1 $0x0  }
0x87: {  	[sflag:s15] =	ssyncadd.s32 @!p1 $0xFFFFFFB0  }
0x88: {  	_ =	swait.ge @!p1 [sflag:s6], $0x50  }
0x89: {  	[sflag:s6] =	ssyncset.done @!p1 $0x0  }
0x8a: {  	s15 =	simm.s32 @!p1 $0x50;
	[sflag:s6] =	ssyncadd.s32 @!p1 $0xFFFFFFB0  }
0x8b: {  	[tilespmem:s17], [sflag:s13] =	stream.indirect.gather @!p1 [hbm4b:s1+s15], $0x80, s14, s15, $0xb8;
	[tilespmem:$0x1E0C0] =	vst v63  }
0x8c: {  	[bflag:$0x0] =	sbarrier.arrive $0xFFFF  }
0x8d: {  	s6 =	simm.s32 @p0 $0x1FCF;
	s13 =	rddreg [dreg:$0xf]  }
0x8e: {  	[hbm:s13], [sflag:s6] =	dma.local @p0 [spmem:s10], $0x2800  }
0x8f: {  	s6 =	simm.s32 @p0 $0xF  }
0x90: {  	_ =	swait.ge @p0 [sflag:s6], $0x2800  }
0x91: {  	[sflag:s6] =	ssyncset.done @p0 $0x0  }
0x92: {  	[sflag:s6] =	ssyncadd.s32 @p0 $0xFFFFD800;
	s6 =	rddreg [dreg:$0xe]  }
0x93: {  	[hbm:s6], [sflag:s11] =	dma.local @!p0 [spmem:s12], $0x2700  }
0x94: {  	s6 =	simm.s32 @!p0 $0xF  }
0x95: {  	_ =	swait.ge @!p0 [sflag:s6], $0x2700  }
0x96: {  	s9 =	sadd.s32 $0x1, s9;
	s29 =	rddreg [dreg:$0x10]  }
0x97: {  	p1 =	sne.s32 s9, s29  }
.Ltmp1:
0x98: {  	_ = 	snop;
	(pc) =	sbr.rel @p1 .LBB2_1-.Ltmp1, $3  }
0x99: {  	_ =	sdelay $0x1  }
0x9a: {  	[sflag:s6] =	ssyncset.done @!p0 $0x0  }
0x9b: {  	[sflag:s6] =	ssyncadd.s32 @!p0 $0xFFFFD900  }
0x9c: {  	_ =	sfence.sel $0x180000  }
0x9d: {  	[bflag:$0x0] =	sbarrier.arrive $0xFFFF  }
0x9e: {  	_ =	strace $0x9000004A  }
0x9f: {  	s0 =	stileid.u32;
	[bflag:$0x2] =	sbarrier.arrive $0xFFFF  }
0xa0: {  	p0 =	sne.s32 s0, $0x0;
	s0 =	rddreg [dreg:$0x3]  }
0xa1: {  	s0 =	sadd.s32 @!p0 $0x100000, s0  }
0xa2: {  	[sflag:s0] =	ssyncadd.tile.s32 @!p0 $0x1;
	_ =	shalt  }
.Lfunc_end2:
_tile_overlayer_lowered:
.L_overlay_start_2:
0xa3: {  	(tag) =	ssettag $0x2  }
0xa4: {  	s0 =	rddreg [dreg:$0x0];
	s2 =	stileid.u32  }
0xa5: {  	s1 =	rddreg [dreg:$0x1];
	p0 =	sne.s32 s2, $0x0  }
0xa6: {  	s3 =	rddreg [dreg:$0x2];
	[bflag:$0x3] =	sbarrier.arrive $0xFFFF;
	s2 =	simm.s32 @!p0 $0x1C0F  }
0xa7: {  	[timem:s3], [sflag:s2] =	dma.local @!p0 [hbm:s0], s1  }
0xa8: {  	s0 =	simm.s32 @!p0 $0xF  }
0xa9: {  	_ =	swait.ge @!p0 [sflag:s0], s1  }
0xaa: {  	s1 =	ssub.s32 @!p0 $0x0, s1;
	[sflag:s0] =	ssyncset.done @!p0 $0x0  }
0xab: {  	[sflag:s0] =	ssyncadd.s32 @!p0 s1  }
0xac: {  	[bflag:$0x3] =	sbarrier.arrive $0xFFFF  }
0xad: {  	_ =	shalt  }

// kernel: kernel.7.cloned.1.call-start
scs
__scs_entry_jumppad:
0x0: {  	(pc) =	sbr.rel $0x88, $3  }
0x1: {  	(tag) =	ssettag $0x0;
	lr =	simm.s32 $0x1  }
0x2: {  	[smem:$0x3F9D] =	sst lr;
	_ =	strace $0xD0000000  }
0x3: {  	_ = 	snop  }
0x4: {  	_ = 	snop  }
0x5: {  	_ = 	snop  }
0x6: {  	_ = 	snop  }
0x7: {  	_ = 	snop  }
__scs_overlays_trampoline_lowered:
0x8: {  	[smem:$0x3FAC] =	sst s0  }
0x9: {  	[smem:$0x3FAD] =	sst s1  }
0xa: {  	[smem:$0x3FAE] =	sst s2  }
0xb: {  	[smem:$0x3FAF] =	sst s3  }
0xc: {  	[smem:$0x3FB0] =	sst s4  }
0xd: {  	[smem:$0x3FB1] =	sst s5  }
0xe: {  	[smem:$0x3FB2] =	sst s6  }
0xf: {  	[smem:$0x3FB3] =	sst s7  }
0x10: {  	[smem:$0x3FB4] =	sst s8  }
0x11: {  	[smem:$0x3FB5] =	sst s9;
	s0 =	simm.s32 @!p0 $0x0  }
0x12: {  	s1 =	sld [smem:$0x3F9B];
	s0 =	simm.s32 @p0 $0x1  }
0x13: {  	[smem:$0x3FB6] =	sst s0;
	s0 =	simm.s32 @!p1 $0x0  }
0x14: {  	s2 =	sld [smem:$0x3F9A];
	s0 =	simm.s32 @p1 $0x1  }
0x15: {  	[smem:$0x3FB7] =	sst s0;
	s0 =	simm.s32 @!p2 $0x0  }
0x16: {  	s3 =	sld [smem:$0x3FDB];
	s0 =	simm.s32 @p2 $0x1  }
0x17: {  	s4 =	simm.s32 $0x1BF5;
	[smem:$0x3FB9] =	sst s0  }
0x18: {  	s0 =	sld [smem:$0x3F9C];
	_ =	swait.ge [sflag:s4], $0x0  }
0x19: {  	s7 =	sld [smem:$0x3F9D]  }
0x1a: {  	s8 =	sadd.s32 $0xFFFFE003, lr  }
0x1b: {  	s9 =	sadd.s32 $0xFFFFFEF7, lr;
	s5 =	simm.s32 $0xFFFFFFFF;
	p2 =	slt.u32 s8, $0xFFFFF086  }
0x1c: {  	p1 =	slt.u32 s9, $0xF7A;
	s5 =	simm.s32 @!p2 $0x0  }
0x1d: {  	s5 =	simm.s32 @p1 $0x1;
	p0 =	seq.s32 s7, s2  }
0x1e: {  	s7 =	smul.u32 @!p0 $0xF7A, s2;
	p2 =	seq.s32 @!p0 s5, $0x0  }
0x1f: {  	s9 =	smul.u32 $0xF7A, s1;
	s8 =	simm.s32 @!p0 $0x1BF5;
	p2 =	por !p2, p0  }
0x20: {  	[sflag:s8] =	ssyncset.s32 @!p0 $0xFFFFF086;
	s6 =	sadd.s32 @!p0 s3, s7;
	s7 =	simm.s32 @!p0 $0x108  }
0x21: {  	s3 =	sadd.s32 s3, s9;
	s6 =	sadd.s32 @!p0 $0x88, s6;
	s7 =	simm.s32 @p2 $0x1082  }
0x22: {  	[simem:s7], [sflag:s8] =	dma.local @!p0 [hbm:s6], $0xF7A  }
0x23: {  	s9 =	sor.u32 $0xD0000000, s2;
	s6 =	simm.s32 $0x108;
	_ =	swait.ge @!p0 [sflag:s8], $0x0  }
0x24: {  	s3 =	sadd.s32 $0x88, s3;
	s6 =	simm.s32 @!p1 $0x1082;
	[sflag:s4] =	ssyncset.s32 $0xFFFFF086  }
0x25: {  	[simem:s6], [sflag:s4] =	dma.local [hbm:s3], $0xF7A  }
0x26: {  	[smem:$0x3F9D] =	sst s1;
	(tag) =	ssettag s2;
	_ =	strace s9  }
0x27: {  	s1 =	sld [smem:$0x3FAD]  }
0x28: {  	s2 =	sld [smem:$0x3FAE]  }
0x29: {  	s4 =	sld [smem:$0x3FB0]  }
0x2a: {  	p0 =	seq.s32 s5, $0x0;
	s5 =	sld [smem:$0x3FB1]  }
0x2b: {  	s6 =	sld [smem:$0x3FB2]  }
0x2c: {  	s7 =	sld [smem:$0x3FB3]  }
0x2d: {  	s3 =	simm.s32 $0x108;
	s8 =	sld [smem:$0x3FB4]  }
0x2e: {  	s3 =	simm.s32 @!p0 $0x1082;
	s9 =	sld [smem:$0x3FB5]  }
0x2f: {  	lr =	sadd.s32 s0, s3;
	s0 =	sld [smem:$0x3FAC]  }
0x30: {  	s3 =	sld [smem:$0x3FAF]  }
0x31: {  	[smem:$0x3FB8] =	sst s10  }
0x32: {  	s10 =	sld [smem:$0x3FB6];
	_ =	sdelay $0x3  }
0x33: {  	p0 =	seq.s32 s10, $0x1;
	s10 =	sld [smem:$0x3FB8];
	_ =	sdelay $0x3  }
0x34: {  	[smem:$0x3FB8] =	sst s10  }
0x35: {  	s10 =	sld [smem:$0x3FB7];
	_ =	sdelay $0x3  }
0x36: {  	p1 =	seq.s32 s10, $0x1;
	s10 =	sld [smem:$0x3FB8];
	_ =	sdelay $0x3  }
0x37: {  	[smem:$0x3FB8] =	sst s10  }
0x38: {  	s10 =	sld [smem:$0x3FB9]  }
0x39: {  	_ = 	snop;
	(pc) =	sbr.ind lr, $3  }
0x3a: {  	_ = 	snop  }
0x3b: {  	_ = 	snop  }
0x3c: {  	p2 =	seq.s32 s10, $0x1;
	s10 =	sld [smem:$0x3FB8]  }
0x3d: {  	_ =	shalt  }
0x3e: {  	_ =	shalt  }
0x3f: {  	_ =	shalt  }
0x40: {  	_ =	shalt  }
0x41: {  	_ =	shalt  }
0x42: {  	_ =	shalt  }
0x43: {  	_ =	shalt  }
0x44: {  	_ =	shalt  }
0x45: {  	_ =	shalt  }
0x46: {  	_ =	shalt  }
0x47: {  	_ =	shalt  }
0x48: {  	_ =	shalt  }
0x49: {  	_ =	shalt  }
0x4a: {  	_ =	shalt  }
0x4b: {  	_ =	shalt  }
0x4c: {  	_ =	shalt  }
0x4d: {  	_ =	shalt  }
0x4e: {  	_ =	shalt  }
0x4f: {  	_ =	shalt  }
0x50: {  	_ =	shalt  }
0x51: {  	_ =	shalt  }
0x52: {  	_ =	shalt  }
0x53: {  	_ =	shalt  }
0x54: {  	_ =	shalt  }
0x55: {  	_ =	shalt  }
0x56: {  	_ =	shalt  }
0x57: {  	_ =	shalt  }
0x58: {  	_ =	shalt  }
0x59: {  	_ =	shalt  }
0x5a: {  	_ =	shalt  }
0x5b: {  	_ =	shalt  }
0x5c: {  	_ =	shalt  }
0x5d: {  	_ =	shalt  }
0x5e: {  	_ =	shalt  }
0x5f: {  	_ =	shalt  }
0x60: {  	_ =	shalt  }
0x61: {  	_ =	shalt  }
0x62: {  	_ =	shalt  }
0x63: {  	_ =	shalt  }
0x64: {  	_ =	shalt  }
0x65: {  	_ =	shalt  }
0x66: {  	_ =	shalt  }
0x67: {  	_ =	shalt  }
0x68: {  	_ =	shalt  }
0x69: {  	_ =	shalt  }
0x6a: {  	_ =	shalt  }
0x6b: {  	_ =	shalt  }
0x6c: {  	_ =	shalt  }
0x6d: {  	_ =	shalt  }
0x6e: {  	_ =	shalt  }
0x6f: {  	_ =	shalt  }
0x70: {  	_ =	shalt  }
0x71: {  	_ =	shalt  }
0x72: {  	_ =	shalt  }
0x73: {  	_ =	shalt  }
0x74: {  	_ =	shalt  }
0x75: {  	_ =	shalt  }
0x76: {  	_ =	shalt  }
0x77: {  	_ =	shalt  }
0x78: {  	_ =	shalt  }
0x79: {  	_ =	shalt  }
0x7a: {  	_ =	shalt  }
0x7b: {  	_ =	shalt  }
0x7c: {  	_ =	shalt  }
0x7d: {  	_ =	shalt  }
0x7e: {  	_ =	shalt  }
0x7f: {  	_ =	shalt  }
0x80: {  	_ =	shalt  }
0x81: {  	_ =	shalt  }
0x82: {  	_ =	shalt  }
0x83: {  	_ =	shalt  }
0x84: {  	_ =	shalt  }
0x85: {  	_ =	shalt  }
0x86: {  	_ =	shalt  }
0x87: {  	_ =	shalt  }
.Lfunc_end0:
.L_simem_size_0:
called_computation_lowered:
.L_overlay_start_0:
0x88: {  	s2 =	sld [smem:$0x3FD9]  }
0x89: {  	s3 =	sld [smem:$0x3FFE];
	_ =	sdelay $0x1  }
0x8a: {  	s1 =	srdreg.scid  }
0x8b: {  	s0 =	sand.u32 $0x1, s1  }
0x8c: {  	s17 =	sshll.u32 s0, $0xA;
	s2 =	sadd.s32 s3, s2  }
0x8d: {  	s2 =	sadd.s32 s2, s17  }
0x8e: {  	[smem:$0x3FC4] =	sst s2  }
0x8f: {  	_ = 	snop  }
0x90: {  	s2 =	sld [smem:$0x3FD0];
	(tm) =	ssettm $0x1  }
0x91: {  	s18 =	sld [smem:$0x3FFB];
	_ =	sdelay $0x3  }
0x92: {  	_ =	strace s18  }
0x93: {  	s3 =	sld [smem:$0x3FFC];
	_ =	sdelay $0x3  }
0x94: {  	_ =	strace s3  }
0x95: {  	s3 =	sld [smem:$0x3FFD];
	_ =	sdelay $0x3  }
0x96: {  	_ =	strace s3  }
0x97: {  	_ =	strace $0x8FFFFFFF  }
0x98: {  	s19 =	sld [smem:$0x3FDB];
	_ =	sdelay $0x1  }
0x99: {  	s4 =	simm.s32 $_scs_section_size  }
0x9a: {  	s5 =	simm.s32 $_size__tile_overlayer_lowered;
	s6 =	simm.s32 $_tile_overlayer_lowered  }
0x9b: {  	s22 =	simm.s32 $0x1BFF;
	s21 =	sshll.u32 s6, $0x1;
	s3 =	sadd.s32 s4, s19  }
0x9c: {  	s7 =	simm.s32 $0x0;
	s20 =	sshll.u32 s5, $0x1;
	s5 =	sadd.s32 s21, s3  }
0x9d: {  	[timem:s7], [sflag:s22] =	dma.local [hbm:s5], s20  }
0x9e: {  	_ =	swait.ge [sflag:s22], s20  }
0x9f: {  	s4 =	ssub.s32 $0x0, s20;
	[sflag:s22] =	ssyncset.done $0x0  }
0xa0: {  	[sflag:s22] =	ssyncadd.s32 s4;
	_ =	sdelay $0x1  }
0xa1: {  	s23 =	simm.s32 $0x1B8B  }
0xa2: {  	_ =	swait.ge [sflag:s23], $0x1  }
0xa3: {  	[sflag:s23] =	ssyncset.done $0x0  }
0xa4: {  	s25 =	simm.s32 $0x1B8E;
	s24 =	sld [smem:$0x3FFE];
	[sflag:s23] =	ssyncadd.s32 $0xFFFFFFFF  }
0xa5: {  	s26 =	simm.s32 $execute0_lowered;
	[smem:$0x3FD2] =	sst s25  }
0xa6: {  	s5 =	sshll.u32 s26, $0x1;
	_ =	strace $0x80000046;
	[dreg:$0x1] =	wrdreg $0xFFFFFFFF  }
0xa7: {  	s28 =	simm.s32 $_size_execute0_lowered;
	s3 =	sadd.s32 s3, s5;
	[dreg:$0x0] =	wrdreg $0x0  }
0xa8: {  	s5 =	sshll.u32 s28, $0x1;
	[dreg:$0x2] =	wrdreg s3  }
0xa9: {  	[dreg:$0x3] =	wrdreg s5  }
0xaa: {  	[dreg:$0x4] =	wrdreg $0xC0  }
0xab: {  	_ =	task [dreg:s7], $0x5FFFF  }
0xac: {  	[dreg:$0x1] =	wrdreg $0xFFFFFFFF  }
0xad: {  	[dreg:$0x0] =	wrdreg $0x60  }
0xae: {  	[dreg:$0x2] =	wrdreg s24  }
0xaf: {  	[dreg:$0x3] =	wrdreg s2  }
0xb0: {  	[dreg:$0x4] =	wrdreg $0xA8000  }
0xb1: {  	[dreg:$0x5] =	wrdreg $0x9  }
0xb2: {  	_ =	task.clear_ibuf [dreg:s7], $0x6FFFF;
	_ =	strace $0x90000046  }
0xb3: {  	s29 =	simm.s32 $0x9;
	_ =	strace $0x80000048  }
0xb4: {  	_ =	swait.ge [sflag:s29], $0x1  }
0xb5: {  	[sflag:s29] =	ssyncadd.s32 $0xFFFFFFFF  }
0xb6: {  	_ =	strace $0x90000048  }
0xb7: {  	_ =	sfence  }
0xb8: {  	s30 =	sld [smem:$0x0];
	_ =	sdelay $0x2  }
0xb9: {  	s31 =	sshll.u32 s1, $0xD;
	s1 =	sshrl.u32 s1, $0x2  }
0xba: {  	s3 =	sand.u32 $0x4000, s31;
	s1 =	sadd.s32 s1, s30  }
0xbb: {  	s0 =	sor.u32 s3, s0;
	s1 =	sshll.u32 s1, $0x11  }
0xbc: {  	s0 =	sor.u32 s1, s0  }
0xbd: {  	s0 =	sadd.s32 $0x8F2B, s0  }
0xbe: {  	[sflag:s0] =	ssyncadd.remote.s32 $0x1  }
0xbf: {  	_ =	sfence.sel $0xFFFF  }
0xc0: {  	[dreg:$0x0] =	wrdreg $0xFFFFFFFF;
	(pc) =	sbr.abs _section_cstart, $3  }
0xc1: {  	[dreg:$0x1] =	wrdreg $0xFFFFFFFF  }
0xc2: {  	_ =	task.clear_ibuf [dreg:s7], $0x2FFFF;
	_ =	strace $0x9FFFFFFF  }
0xc3: {  	(tm) =	ssettm $0x7FFFFFFF  }
tec
execute0_lowered:
.L_overlay_start_1:
0x0: {  	(tag) =	ssettag $0x1  }
0x1: {  	s0 =	rddreg [dreg:$0x0]  }
0x2: {  	s1 =	rddreg [dreg:$0x1]  }
0x3: {  	s2 =	rddreg [dreg:$0x2];
	s3 =	srdreg.scid  }
0x4: {  	s4 =	simm.s32 $0x0;
	s13 =	stileid.u32;
	s30 =	simm.s32 $0x6  }
0x5: {  	s31 =	simm.s32 $0x50;
	s3 =	sand.u32 $0x1, s3;
	s14 =	smul.u32 $0x4E000, s13  }
0x6: {  	[smem:$0x7FF] =	sst s4;
	s7 =	sadd.s32 $0x1600, s0;
	s18 =	smul.u32 $0x13800, s13  }
0x7: {  	s20 =	smul.u32 $0x2710, s13;
	s22 =	sadd.s32 $0x124800, s2;
	p0 =	seq.s32 s13, $0xF  }
0x8: {  	s5 =	sshll.u32 s3, $0x4;
	_ =	strace $0x80000047;
	s16 =	smul.u32 $0x138800, s3  }
0x9: {  	s8 =	ssub.s32 $0x2, s3;
	s3 =	smul.u32 $0x27100, s3;
	[dreg:$0xd] =	wrdreg s22  }
0xa: {  	s22 =	simm.s32 $0x2;
	s5 =	sor.u32 s13, s5;
	s9 =	sshrl.u32 s8, $0x1  }
0xb: {  	s6 =	smul.u32 $0x2710, s5;
	s5 =	sadd.s32 $0x15000, s0;
	s0 =	sadd.s32 $0x17800, s0  }
0xc: {  	s8 =	ssub.s32 s8, s9;
	s9 =	sshrl.u32 s14, $0x2;
	s23 =	sadd.s32 s18, s16  }
0xd: {  	s3 =	sadd.s32 s20, s3;
	s21 =	sadd.s32 s9, s2;
	s9 =	sshrl.u32 s23, $0x3  }
0xe: {  	s25 =	sadd.s32 $0x140, s3;
	s28 =	smax.u32 s8, $0x1;
	[dreg:$0xc] =	wrdreg s21  }
0xf: {  	s6 =	sshrl.u32 s6, $0x3;
	s24 =	sadd.s32 s0, s9;
	[dreg:$0x10] =	wrdreg s28  }
0x10: {  	s3 =	sadd.s32 $0x4E340, s3;
	s6 =	sadd.s32 s7, s6;
	[dreg:$0xe] =	wrdreg s24  }
0x11: {  	s8 =	simm.s32 $0xF;
	s10 =	sadd.s32 $0x9C40, s6;
	[dreg:$0x4] =	wrdreg s6  }
0x12: {  	s26 =	sshrl.u32 s25, $0x3;
	s15 =	sadd.s32 $0xA, s6;
	[dreg:$0x5] =	wrdreg s10  }
0x13: {  	s29 =	sshrl.u32 s3, $0x3;
	s11 =	sadd.s32 $0x9C4A, s6;
	[dreg:$0x6] =	wrdreg s15  }
0x14: {  	s3 =	simm.s32 $0x7;
	s17 =	sadd.s32 $0x14, s6;
	[dreg:$0x7] =	wrdreg s11  }
0x15: {  	s9 =	simm.s32 $0x0;
	s12 =	sadd.s32 $0x9C54, s6;
	[dreg:$0x8] =	wrdreg s17  }
0x16: {  	s20 =	sadd.s32 s29, s7;
	s19 =	sadd.s32 $0x1E, s6;
	[dreg:$0x9] =	wrdreg s12  }
0x17: {  	s6 =	sadd.s32 $0x9C5E, s6;
	[dreg:$0xa] =	wrdreg s19;
	s10 =	sshrl.u32 s16, $0x3  }
0x18: {  	s24 =	simm.s32 $0x4;
	[dreg:$0xb] =	wrdreg s6;
	s0 =	sadd.s32 s0, s10  }
0x19: {  	s19 =	sadd.s32 s26, s7;
	s26 =	simm.s32 $0x3;
	s0 =	sadd.s32 $0x24900, s0  }
0x1a: {  	s7 =	simm.s32 $0x9;
	[dreg:$0xf] =	wrdreg s0;
	s0 =	simm.s32 $0x8  }
.LBB2_1:
0x1b: {  	s6 =	rddreg [dreg:$0x4]  }
0x1c: {  	[tilespmem:s4], [sflag:$0x1] =	stream.linear.gather [hbm4b:s6+s4], $0x50, $0x38;
	[tilespmem:$0x1E0C0] =	vst v63  }
0x1d: {  	s15 =	rddreg [dreg:$0x5];
	s10 =	simm.s32 $0x400  }
0x1e: {  	[tilespmem:s10], [sflag:$0x6] =	stream.linear.gather [hbm4b:s15+s4], $0x50, $0x38;
	[tilespmem:$0x1E0C0] =	vst v63  }
0x1f: {  	s16 =	rddreg [dreg:$0x6];
	s11 =	simm.s32 $0x80  }
0x20: {  	[tilespmem:s11], [sflag:$0x2] =	stream.linear.gather [hbm4b:s16+s4], $0x50, $0x38;
	[tilespmem:$0x1E0C0] =	vst v63  }
0x21: {  	s17 =	rddreg [dreg:$0x7];
	s18 =	simm.s32 $0x480  }
0x22: {  	[tilespmem:s18], [sflag:$0x7] =	stream.linear.gather [hbm4b:s17+s4], $0x50, $0x38;
	[tilespmem:$0x1E0C0] =	vst v63  }
0x23: {  	s21 =	rddreg [dreg:$0x8];
	s12 =	simm.s32 $0x100  }
0x24: {  	[tilespmem:s12], [sflag:$0x3] =	stream.linear.gather [hbm4b:s21+s4], $0x50, $0x38;
	[tilespmem:$0x1E0C0] =	vst v63  }
0x25: {  	s23 =	rddreg [dreg:$0x9];
	s25 =	simm.s32 $0x500  }
0x26: {  	[tilespmem:s25], [sflag:$0x8] =	stream.linear.gather [hbm4b:s23+s4], $0x50, $0x38;
	[tilespmem:$0x1E0C0] =	vst v63  }
0x27: {  	s29 =	rddreg [dreg:$0xa];
	s13 =	simm.s32 $0x180  }
0x28: {  	[tilespmem:s13], [sflag:$0x4] =	stream.linear.gather [hbm4b:s29+s4], $0x50, $0x38;
	[tilespmem:$0x1E0C0] =	vst v63  }
0x29: {  	s14 =	simm.s32 $0x580;
	s15 =	simm.s32 $0x1;
	s13 =	rddreg [dreg:$0xb]  }
0x2a: {  	[tilespmem:s14], [sflag:$0x9] =	stream.linear.gather [hbm4b:s13+s4], $0x50, $0x38;
	[tilespmem:$0x1E0C0] =	vst v63  }
0x2b: {  	_ =	swait.ge [sflag:s15], $0x50  }
0x2c: {  	[sflag:s15] =	ssyncset.done $0x0  }
0x2d: {  	[sflag:s15] =	ssyncadd.s32 $0xFFFFFFB0  }
0x2e: {  	_ =	swait.ge [sflag:s30], $0x50  }
0x2f: {  	[sflag:s30] =	ssyncset.done $0x0  }
0x30: {  	s16 =	simm.s32 $0x800;
	[sflag:s30] =	ssyncadd.s32 $0xFFFFFFB0  }
0x31: {  	[tilespmem:s16], [sflag:$0xB] =	stream.indirect.gather [hbm4b:s1+s31], $0x80, s10, s31, $0xb8;
	[tilespmem:$0x1E0C0] =	vst v63  }
0x32: {  	_ =	swait.ge [sflag:s22], $0x50  }
0x33: {  	[sflag:s22] =	ssyncset.done $0x0  }
0x34: {  	[sflag:s22] =	ssyncadd.s32 $0xFFFFFFB0  }
0x35: {  	_ =	swait.ge [sflag:s3], $0x50  }
0x36: {  	[sflag:s3] =	ssyncset.done $0x0  }
0x37: {  	s17 =	simm.s32 $0x3000;
	[sflag:s3] =	ssyncadd.s32 $0xFFFFFFB0  }
0x38: {  	[tilespmem:s17], [sflag:$0xC] =	stream.indirect.gather [hbm4b:s1+s31], $0x80, s18, s31, $0xb8;
	[tilespmem:$0x1E0C0] =	vst v63  }
0x39: {  	_ =	swait.ge [sflag:s26], $0x50  }
0x3a: {  	[sflag:s26] =	ssyncset.done $0x0  }
0x3b: {  	[sflag:s26] =	ssyncadd.s32 $0xFFFFFFB0  }
0x3c: {  	_ =	swait.ge [sflag:s0], $0x50  }
0x3d: {  	[sflag:s0] =	ssyncset.done $0x0  }
0x3e: {  	s18 =	simm.s32 $0x5800;
	[sflag:s0] =	ssyncadd.s32 $0xFFFFFFB0  }
0x3f: {  	[tilespmem:s18], [sflag:$0xD] =	stream.indirect.gather [hbm4b:s1+s31], $0x80, s25, s31, $0xb8;
	[tilespmem:$0x1E0C0] =	vst v63  }
0x40: {  	_ =	swait.ge [sflag:s24], $0x50  }
0x41: {  	[sflag:s24] =	ssyncset.done $0x0  }
0x42: {  	p1 =	por $0x0, $0x0;
	[sflag:s24] =	ssyncadd.s32 $0xFFFFFFB0  }
0x43: {  	s11 =	simm.s32 @p0 $0x1FCF;
	s21 =	simm.s32 $0x8000;
	_ =	swait.ge [sflag:s7], $0x50  }
0x44: {  	s23 =	smul.u32 $0xCD, s4;
	[sflag:s7] =	ssyncset.done $0x0;
	s6 =	rddreg [dreg:$0xd]  }
0x45: {  	s13 =	simm.s32 $0x1;
	[sflag:s7] =	ssyncadd.s32 $0xFFFFFFB0;
	s10 =	sshrl.u32 @p0 s6, $0x3  }
0x46: {  	[tilespmem:s21], [sflag:$0xE] =	stream.indirect.gather [hbm4b:s1+s31], $0x80, s14, s31, $0xb8;
	[tilespmem:$0x1E0C0] =	vst v63  }
0x47: {  	[spmem:s10], [sflag:s11] =	dma.local @p0 [hbm:s5], $0x2800  }
0x48: {  	s15 =	simm.s32 @!p0 $0xF;
	s14 =	sadd.s32 $0x334, s23;
	s11 =	simm.s32 @p0 $0xF  }
0x49: {  	s17 =	sand.u32 $0x3, s4;
	s14 =	sshrl.u32 s14, $0xA;
	_ =	swait.ge @p0 [sflag:s11], $0x2800  }
0x4a: {  	s6 =	stileid.u32;
	s14 =	sand.u32 $0x3F, s14;
	[sflag:s11] =	ssyncset.done @p0 $0x0  }
0x4b: {  	[sflag:s11] =	ssyncadd.s32 @p0 $0xFFFFD800;
	s11 =	sshll.u32 @!p0 s6, $0x6;
	s6 =	rddreg [dreg:$0xc]  }
0x4c: {  	s14 =	smul.u32 $0x5, s14;
	s11 =	sor.u32 @!p0 $0x1C0F, s11;
	s12 =	sshrl.u32 @!p0 s6, $0x3  }
0x4d: {  	[spmem:s12], [sflag:s11] =	dma.local @!p0 [hbm:s5], $0x2700  }
0x4e: {  	s25 =	sshrl.u32 s23, $0xA;
	s18 =	simm.s32 @!p1 $0x0;
	_ =	swait.ge @!p0 [sflag:s15], $0x2700  }
0x4f: {  	s23 =	smul.u32 $0xA000, s17;
	s14 =	ssub.s32 $0x0, s14;
	[sflag:s15] =	ssyncset.done @!p0 $0x0  }
0x50: {  	s14 =	sadd.s32 $0x4, s14;
	[sflag:s15] =	ssyncadd.s32 @!p0 $0xFFFFD900;
	s15 =	sand.u32 $0x3F, s25  }
0x51: {  	s17 =	sadd.s32 $0xB, s17;
	s16 =	smul.u32 $0x5, s15;
	s15 =	sand.u32 $0xFF, s14  }
0x52: {  	[bflag:$0x0] =	sbarrier.arrive $0xFFFF;
	s14 =	sshll.u32 @!p1 s15, $0x7;
	s21 =	sadd.s32 @!p1 $0x1, s15  }
0x53: {  	[tilespmem:s14], [sflag:s21] =	stream.linear.gather @!p1 [hbm4b:s19+s18], $0x50, $0x38;
	[tilespmem:$0x1E0C0] =	vst v63  }
0x54: {  	s15 =	sadd.s32 @!p1 $0x6, s15;
	s14 =	sadd.s32 @!p1 $0x400, s14;
	p1 =	por p1, p1  }
0x55: {  	[tilespmem:s14], [sflag:s15] =	stream.linear.gather @!p1 [hbm4b:s20+s18], $0x50, $0x38;
	[tilespmem:$0x1E0C0] =	vst v63  }
0x56: {  	s29 =	sshrl.u32 s23, $0x2;
	s16 =	ssub.s32 $0x0, s16;
	_ =	swait.ge [sflag:s17], $0x2800  }
0x57: {  	s23 =	sadd.s32 $0x800, s29;
	s16 =	sand.u32 $0xFF, s16;
	[sflag:s17] =	ssyncset.done $0x0  }
0x58: {  	s25 =	smul.u32 $0xCD, s13;
	s16 =	sshll.u32 s16, $0x7;
	[sflag:s17] =	ssyncadd.s32 $0xFFFFD800  }
0x59: {  	[spmem:s2] =	stream.indirect.scatter.add.f32 [tilespmem:s23], [sflag:$0xF], $0x80, s16, s31, $0xb8;
	[tilespmem:$0x1E0C0] =	vst v63  }
0x5a: {  	s6 =	sshrl.u32 s25, $0xA;
	s25 =	sadd.s32 $0x334, s25;
	_ =	swait.ge [sflag:s8], $0x2800  }
0x5b: {  	s25 =	sshrl.u32 s25, $0xA;
	[sflag:s8] =	ssyncset.done $0x0  }
0x5c: {  	s29 =	sand.u32 $0x3F, s25;
	s16 =	sand.u32 $0x3F, s6;
	[sflag:s8] =	ssyncadd.s32 $0xFFFFD800  }
0x5d: {  	s18 =	simm.s32 $0x2;
	s6 =	smul.u32 $0x5, s16;
	_ =	swait.ge @!p1 [sflag:s21], $0x50  }
0x5e: {  	s28 =	smul.u32 $0x5, s29;
	s16 =	sadd.s32 $0xA, s20;
	[sflag:s21] =	ssyncset.done @!p1 $0x0  }
0x5f: {  	s25 =	ssub.s32 $0x1, s6;
	[sflag:s21] =	ssyncadd.s32 @!p1 $0xFFFFFFB0;
	s21 =	sadd.s32 $0xA, s19  }
.LBB2_2:
0x60: {  	s6 =	ssub.s32 s13, s28  }
0x61: {  	_ =	swait.ge @!p1 [sflag:s15], $0x50;
	s28 =	smov.u32 s18;
	s18 =	sadd.s32 $0x1, s18  }
0x62: {  	s29 =	simm.s32 @!p1 $0x50;
	s6 =	sadd.s32 $0x4, s6;
	[sflag:s15] =	ssyncset.done @!p1 $0x0  }
0x63: {  	p3 =	sgt.u32 s13, $0x78;
	s6 =	sand.u32 $0xFF, s6;
	[sflag:s15] =	ssyncadd.s32 @!p1 $0xFFFFFFB0  }
0x64: {  	[tilespmem:s23], [sflag:s17] =	stream.indirect.gather @!p1 [hbm4b:s1+s29], $0x80, s14, s29, $0xb8;
	[tilespmem:$0x1E0C0] =	vst v63  }
0x65: {  	p2 =	sne.s32 s18, $0x7D;
	s17 =	sshll.u32 @!p3 s6, $0x7;
	s29 =	sadd.s32 @!p3 $0x1, s6  }
0x66: {  	s23 =	simm.s32 @!p3 $0x0;
	s15 =	sadd.s32 @!p3 $0x6, s6;
	s14 =	sadd.s32 @!p3 $0x400, s17  }
0x67: {  	[tilespmem:s17], [sflag:s29] =	stream.linear.gather @!p3 [hbm4b:s21+s23], $0x50, $0x38;
	[tilespmem:$0x1E0C0] =	vst v63  }
0x68: {  	s6 =	sand.u32 $0x3, s13;
	s13 =	smov.u32 s28;
	p1 =	por p3, p3  }
0x69: {  	s28 =	smul.u32 $0xA000, s6;
	s17 =	sadd.s32 $0xB, s6  }
0x6a: {  	[tilespmem:s14], [sflag:s15] =	stream.linear.gather @!p1 [hbm4b:s16+s23], $0x50, $0x38;
	[tilespmem:$0x1E0C0] =	vst v63  }
0x6b: {  	s6 =	sand.u32 $0xFF, s25;
	s23 =	sshrl.u32 s28, $0x2;
	_ =	swait.ge [sflag:s17], $0x2800  }
0x6c: {  	s6 =	sshll.u32 s6, $0x7;
	s23 =	sadd.s32 $0x800, s23;
	[sflag:s17] =	ssyncset.done $0x0  }
0x6d: {  	s25 =	smul.u32 $0xCD, s13;
	[sflag:s17] =	ssyncadd.s32 $0xFFFFD800  }
0x6e: {  	[spmem:s2] =	stream.indirect.scatter.add.f32 [tilespmem:s23], [sflag:$0xF], $0x80, s6, s31, $0xb8;
	[tilespmem:$0x1E0C0] =	vst v63  }
0x6f: {  	s6 =	sshrl.u32 s25, $0xA;
	_ =	swait.ge [sflag:s8], $0x2800  }
.Ltmp0:
0x70: {  	s25 =	sadd.s32 $0x334, s25;
	[sflag:s8] =	ssyncset.done $0x0;
	(pc) =	sbr.rel @p2 .LBB2_2-.Ltmp0, $4  }
0x71: {  	s6 =	sand.u32 $0x3F, s6;
	s25 =	sshrl.u32 s25, $0xA;
	[sflag:s8] =	ssyncadd.s32 $0xFFFFD800  }
0x72: {  	s6 =	smul.u32 $0x5, s6;
	s25 =	sand.u32 $0x3F, s25;
	_ =	swait.ge @!p1 [sflag:s29], $0x50  }
0x73: {  	s16 =	sadd.s32 $0xA, s16;
	s28 =	smul.u32 $0x5, s25;
	[sflag:s29] =	ssyncset.done @!p1 $0x0  }
0x74: {  	s21 =	sadd.s32 $0xA, s21;
	s25 =	ssub.s32 s13, s6;
	[sflag:s29] =	ssyncadd.s32 @!p1 $0xFFFFFFB0  }
0x75: {  	s6 =	ssub.s32 s13, s28;
	_ =	swait.ge @!p1 [sflag:s15], $0x50  }
0x76: {  	s18 =	simm.s32 @!p1 $0x50;
	s6 =	sadd.s32 $0x4, s6;
	[sflag:s15] =	ssyncset.done @!p1 $0x0  }
0x77: {  	p2 =	sgt.u32 s13, $0x78;
	s6 =	sand.u32 $0xFF, s6;
	[sflag:s15] =	ssyncadd.s32 @!p1 $0xFFFFFFB0  }
0x78: {  	[tilespmem:s23], [sflag:s17] =	stream.indirect.gather @!p1 [hbm4b:s1+s18], $0x80, s14, s18, $0xb8;
	[tilespmem:$0x1E0C0] =	vst v63  }
0x79: {  	s14 =	sshll.u32 @!p2 s6, $0x7;
	s15 =	sadd.s32 @!p2 $0x1, s6;
	s17 =	simm.s32 @!p2 $0x0  }
0x7a: {  	[tilespmem:s14], [sflag:s15] =	stream.linear.gather @!p2 [hbm4b:s21+s17], $0x50, $0x38;
	[tilespmem:$0x1E0C0] =	vst v63  }
0x7b: {  	s6 =	sadd.s32 @!p2 $0x6, s6;
	p1 =	por p2, p2;
	s21 =	sand.u32 $0x3, s13  }
0x7c: {  	s14 =	sadd.s32 @!p2 $0x400, s14;
	s23 =	smul.u32 $0xA000, s21;
	s13 =	sadd.s32 $0xB, s21  }
0x7d: {  	[tilespmem:s14], [sflag:s6] =	stream.linear.gather @!p1 [hbm4b:s16+s17], $0x50, $0x38;
	[tilespmem:$0x1E0C0] =	vst v63  }
0x7e: {  	_ =	swait.ge [sflag:s13], $0x2800  }
0x7f: {  	s25 =	sand.u32 $0xFF, s25;
	s28 =	sshrl.u32 s23, $0x2;
	[sflag:s13] =	ssyncset.done $0x0  }
0x80: {  	s16 =	sshll.u32 s25, $0x7;
	s17 =	sadd.s32 $0x800, s28;
	[sflag:s13] =	ssyncadd.s32 $0xFFFFD800  }
0x81: {  	[spmem:s2] =	stream.indirect.scatter.add.f32 [tilespmem:s17], [sflag:$0xF], $0x80, s16, s31, $0xb8;
	[tilespmem:$0x1E0C0] =	vst v63  }
0x82: {  	_ =	swait.ge [sflag:s8], $0x2800  }
0x83: {  	[sflag:s8] =	ssyncset.done $0x0  }
0x84: {  	[sflag:s8] =	ssyncadd.s32 $0xFFFFD800  }
0x85: {  	_ =	swait.ge @!p1 [sflag:s15], $0x50  }
0x86: {  	[sflag:s15] =	ssyncset.done @!p1 $0x0  }
0x87: {  	[sflag:s15] =	ssyncadd.s32 @!p1 $0xFFFFFFB0  }
0x88: {  	_ =	swait.ge @!p1 [sflag:s6], $0x50  }
0x89: {  	[sflag:s6] =	ssyncset.done @!p1 $0x0  }
0x8a: {  	s15 =	simm.s32 @!p1 $0x50;
	[sflag:s6] =	ssyncadd.s32 @!p1 $0xFFFFFFB0  }
0x8b: {  	[tilespmem:s17], [sflag:s13] =	stream.indirect.gather @!p1 [hbm4b:s1+s15], $0x80, s14, s15, $0xb8;
	[tilespmem:$0x1E0C0] =	vst v63  }
0x8c: {  	[bflag:$0x0] =	sbarrier.arrive $0xFFFF  }
0x8d: {  	s6 =	simm.s32 @p0 $0x1FCF;
	s13 =	rddreg [dreg:$0xf]  }
0x8e: {  	[hbm:s13], [sflag:s6] =	dma.local @p0 [spmem:s10], $0x2800  }
0x8f: {  	s6 =	simm.s32 @p0 $0xF  }
0x90: {  	_ =	swait.ge @p0 [sflag:s6], $0x2800  }
0x91: {  	[sflag:s6] =	ssyncset.done @p0 $0x0  }
0x92: {  	[sflag:s6] =	ssyncadd.s32 @p0 $0xFFFFD800;
	s6 =	rddreg [dreg:$0xe]  }
0x93: {  	[hbm:s6], [sflag:s11] =	dma.local @!p0 [spmem:s12], $0x2700  }
0x94: {  	s6 =	simm.s32 @!p0 $0xF  }
0x95: {  	_ =	swait.ge @!p0 [sflag:s6], $0x2700  }
0x96: {  	s9 =	sadd.s32 $0x1, s9;
	s29 =	rddreg [dreg:$0x10]  }
0x97: {  	p1 =	sne.s32 s9, s29  }
.Ltmp1:
0x98: {  	_ = 	snop;
	(pc) =	sbr.rel @p1 .LBB2_1-.Ltmp1, $3  }
0x99: {  	_ =	sdelay $0x1  }
0x9a: {  	[sflag:s6] =	ssyncset.done @!p0 $0x0  }
0x9b: {  	[sflag:s6] =	ssyncadd.s32 @!p0 $0xFFFFD900  }
0x9c: {  	_ =	sfence.sel $0x180000  }
0x9d: {  	[bflag:$0x0] =	sbarrier.arrive $0xFFFF  }
0x9e: {  	_ =	strace $0x90000047  }
0x9f: {  	s0 =	stileid.u32;
	[bflag:$0x2] =	sbarrier.arrive $0xFFFF  }
0xa0: {  	p0 =	sne.s32 s0, $0x0;
	s0 =	rddreg [dreg:$0x3]  }
0xa1: {  	s0 =	sadd.s32 @!p0 $0x100000, s0  }
0xa2: {  	[sflag:s0] =	ssyncadd.tile.s32 @!p0 $0x1;
	_ =	shalt  }
.Lfunc_end2:
_tile_overlayer_lowered:
.L_overlay_start_2:
0xa3: {  	(tag) =	ssettag $0x2  }
0xa4: {  	s0 =	rddreg [dreg:$0x0];
	s2 =	stileid.u32  }
0xa5: {  	s1 =	rddreg [dreg:$0x1];
	p0 =	sne.s32 s2, $0x0  }
0xa6: {  	s3 =	rddreg [dreg:$0x2];
	[bflag:$0x3] =	sbarrier.arrive $0xFFFF;
	s2 =	simm.s32 @!p0 $0x1C0F  }
0xa7: {  	[timem:s3], [sflag:s2] =	dma.local @!p0 [hbm:s0], s1  }
0xa8: {  	s0 =	simm.s32 @!p0 $0xF  }
0xa9: {  	_ =	swait.ge @!p0 [sflag:s0], s1  }
0xaa: {  	s1 =	ssub.s32 @!p0 $0x0, s1;
	[sflag:s0] =	ssyncset.done @!p0 $0x0  }
0xab: {  	[sflag:s0] =	ssyncadd.s32 @!p0 s1  }
0xac: {  	[bflag:$0x3] =	sbarrier.arrive $0xFFFF  }
0xad: {  	_ =	shalt  }

</sc_bundles>
